<compile_context>
chip_gen: v7x
topology: tpu7x:2x2x1
jax: 0.10.2.dev20260603
libtpu: 0.0.44.dev20260713+nightly
codegen_flags: <defaults>
</compile_context>

<pallas_src>
import functools

import jax
import jax.numpy as jnp
from jax import lax
from jax.experimental import pallas as pl
from jax.experimental.pallas import tpu as pltpu
from jax.experimental.pallas import tpu_sc as plsc

N = 10000
NP = 10240
D = 128
H = 128
C = 40
E = 320000

NC = 2
NS = 16
NW = NC * NS
K = 80
ET = E // NW
NCH = ET // K
RPT = NP // NS
DW = 16

_mesh = plsc.VectorSubcoreMesh(core_axis_name="c", subcore_axis_name="s")


def _deg_body(dst2_hbm, ones_hbm, zeros_hbm, out_hbm, ones_v, dbuf, acc_sh):
    c = lax.axis_index("c")
    s = lax.axis_index("s")
    w = c * NS + s
    pltpu.sync_copy(ones_hbm, ones_v)
    pltpu.sync_copy(zeros_hbm.at[pl.ds(s * RPT, RPT)],
                    acc_sh.at[pl.ds(s * RPT, RPT)])
    pltpu.sync_copy(dst2_hbm.at[w], dbuf)
    plsc.subcore_barrier()

    def chunk(j, carry):
        pltpu.sync_copy(ones_v, acc_sh.at[dbuf.at[j]], add=True)
        return carry

    lax.fori_loop(0, NCH, chunk, 0)
    plsc.subcore_barrier()
    pltpu.sync_copy(acc_sh.at[pl.ds(s * RPT, RPT)],
                    out_hbm.at[pl.ds(c * NP + s * RPT, RPT)])


_deg = pl.kernel(
    _deg_body,
    out_type=jax.ShapeDtypeStruct((2 * NP, H), jnp.float32),
    mesh=_mesh,
    scratch_types=[
        pltpu.VMEM((K, H), jnp.float32),
        pltpu.VMEM((NCH, K), jnp.int32),
        pltpu.VMEM_SHARED((NP, H), jnp.float32),
    ],
)


_RB = K * H * 4
_IB = K * 4


def _agg_body(hs_hbm, src1_hbm, dst1_hbm, zeros_hbm, out_hbm,
              sbuf, d0, d1, rows0, rows1, acc_sh,
              semg0, semg1, semi0, semi1):
    c = lax.axis_index("c")
    s = lax.axis_index("s")
    w = c * NS + s
    eb = w * ET
    pltpu.sync_copy(zeros_hbm.at[pl.ds(s * RPT, RPT)],
                    acc_sh.at[pl.ds(s * RPT, RPT)])
    pltpu.sync_copy(src1_hbm.at[pl.ds(eb, ET)], sbuf)
    pltpu.async_copy(dst1_hbm.at[pl.ds(eb, K)], d0, semi0)
    pltpu.async_copy(dst1_hbm.at[pl.ds(eb + K, K)], d1, semi1)
    pltpu.async_copy(hs_hbm.at[sbuf.at[pl.ds(0, K)]], rows0, semg0)
    pltpu.async_copy(hs_hbm.at[sbuf.at[pl.ds(K, K)]], rows1, semg1)
    plsc.subcore_barrier()

    def pair(p, carry):
        j0 = 2 * p
        j1 = j0 + 1
        pltpu.make_async_copy(hs_hbm.at[pl.ds(0, K)], rows0, semg0).wait()
        pltpu.make_async_copy(dst1_hbm.at[pl.ds(0, K)], d0, semi0).wait()
        pltpu.sync_copy(rows0, acc_sh.at[d0], add=True)

        @pl.when(j0 + 2 < NCH)
        def _():
            pltpu.async_copy(dst1_hbm.at[pl.ds(eb + (j0 + 2) * K, K)],
                             d0, semi0)
            pltpu.async_copy(hs_hbm.at[sbuf.at[pl.ds((j0 + 2) * K, K)]],
                             rows0, semg0)

        pltpu.make_async_copy(hs_hbm.at[pl.ds(0, K)], rows1, semg1).wait()
        pltpu.make_async_copy(dst1_hbm.at[pl.ds(0, K)], d1, semi1).wait()
        pltpu.sync_copy(rows1, acc_sh.at[d1], add=True)

        @pl.when(j1 + 2 < NCH)
        def _():
            pltpu.async_copy(dst1_hbm.at[pl.ds(eb + (j1 + 2) * K, K)],
                             d1, semi1)
            pltpu.async_copy(hs_hbm.at[sbuf.at[pl.ds((j1 + 2) * K, K)]],
                             rows1, semg1)

        return carry

    lax.fori_loop(0, NCH // 2, pair, 0)
    if NCH % 2:
        pltpu.make_async_copy(hs_hbm.at[pl.ds(0, K)], rows0, semg0).wait()
        pltpu.make_async_copy(dst1_hbm.at[pl.ds(0, K)], d0, semi0).wait()
        pltpu.sync_copy(rows0, acc_sh.at[d0], add=True)
    plsc.subcore_barrier()
    pltpu.sync_copy(acc_sh.at[pl.ds(s * RPT, RPT)],
                    out_hbm.at[pl.ds(c * NP + s * RPT, RPT)])


_agg = pl.kernel(
    _agg_body,
    out_type=jax.ShapeDtypeStruct((2 * NP, H), jnp.float32),
    mesh=_mesh,
    scratch_types=[
        pltpu.VMEM((ET,), jnp.int32),
        pltpu.VMEM((K,), jnp.int32),
        pltpu.VMEM((K,), jnp.int32),
        pltpu.VMEM((K, H), jnp.float32),
        pltpu.VMEM((K, H), jnp.float32),
        pltpu.VMEM_SHARED((NP, H), jnp.float32),
        pltpu.SemaphoreType.DMA,
        pltpu.SemaphoreType.DMA,
        pltpu.SemaphoreType.DMA,
        pltpu.SemaphoreType.DMA,
    ],
)


R = 1024
GRID = NP // R


def _mm_scale_kernel(x_ref, w_ref, d0_ref, d1_ref, hs_ref, dinv_ref):
    deg = d0_ref[...] + d1_ref[...] + 1.0
    dinv = lax.rsqrt(deg)
    h = jnp.dot(x_ref[...], w_ref[...], preferred_element_type=jnp.float32)
    hs_ref[...] = h * dinv
    dinv_ref[...] = jnp.broadcast_to(dinv, (R, H))


def _mm_scale(xp, W1, d0, d1):
    return pl.pallas_call(
        _mm_scale_kernel,
        grid=(GRID,),
        in_specs=[
            pl.BlockSpec((R, D), lambda i: (i, 0)),
            pl.BlockSpec((D, H), lambda i: (0, 0)),
            pl.BlockSpec((R, 1), lambda i: (i, 0)),
            pl.BlockSpec((R, 1), lambda i: (i, 0)),
        ],
        out_specs=[
            pl.BlockSpec((R, H), lambda i: (i, 0)),
            pl.BlockSpec((R, H), lambda i: (i, 0)),
        ],
        out_shape=[
            jax.ShapeDtypeStruct((NP, H), jnp.float32),
            jax.ShapeDtypeStruct((NP, H), jnp.float32),
        ],
    )(xp, W1, d0, d1)


def _mid_kernel(p0_ref, p1_ref, hs_ref, dinv_ref, b1_ref, g2_ref):
    agg = p0_ref[...] + p1_ref[...] + hs_ref[...]
    pre = agg * dinv_ref[...] + b1_ref[...]
    g2_ref[...] = jnp.maximum(pre, 0.0) * dinv_ref[...]


def _mid(p0, p1, hs, dinvB, b1):
    return pl.pallas_call(
        _mid_kernel,
        grid=(GRID,),
        in_specs=[
            pl.BlockSpec((R, H), lambda i: (i, 0)),
            pl.BlockSpec((R, H), lambda i: (i, 0)),
            pl.BlockSpec((R, H), lambda i: (i, 0)),
            pl.BlockSpec((R, H), lambda i: (i, 0)),
            pl.BlockSpec((1, H), lambda i: (0, 0)),
        ],
        out_specs=pl.BlockSpec((R, H), lambda i: (i, 0)),
        out_shape=jax.ShapeDtypeStruct((NP, H), jnp.float32),
    )(p0, p1, hs, dinvB, b1)


def _final_kernel(q0_ref, q1_ref, g2_ref, dinv_ref, w2_ref, b2_ref, out_ref):
    t = (q0_ref[...] + q1_ref[...] + g2_ref[...]) * dinv_ref[...]
    logits = jnp.dot(t, w2_ref[...], preferred_element_type=jnp.float32)
    logits = logits + b2_ref[...]
    m = jnp.max(logits, axis=1, keepdims=True)
    y = logits - m
    lse = jnp.log(jnp.sum(jnp.exp(y), axis=1, keepdims=True))
    out_ref[...] = y - lse


def _final(q0, q1, g2, dinvB, W2, b2):
    return pl.pallas_call(
        _final_kernel,
        grid=(GRID,),
        in_specs=[
            pl.BlockSpec((R, H), lambda i: (i, 0)),
            pl.BlockSpec((R, H), lambda i: (i, 0)),
            pl.BlockSpec((R, H), lambda i: (i, 0)),
            pl.BlockSpec((R, H), lambda i: (i, 0)),
            pl.BlockSpec((H, C), lambda i: (0, 0)),
            pl.BlockSpec((1, C), lambda i: (0, 0)),
        ],
        out_specs=pl.BlockSpec((R, C), lambda i: (i, 0)),
        out_shape=jax.ShapeDtypeStruct((NP, C), jnp.float32),
    )(q0, q1, g2, dinvB, W2, b2)


@jax.jit
def kernel(x, edge_index, W1, b1, W2, b2):
    ei = edge_index.astype(jnp.int32)
    dst2 = ei[1].reshape(NW, NCH, K)
    xp = jnp.pad(x, ((0, NP - N), (0, 0)))

    zerosD = jnp.zeros((NP, H), jnp.float32)

    onesK = jnp.ones((K, H), jnp.float32)
    degp = _deg(dst2, onesK, zerosD)
    d0 = degp[:NP, 0:1]
    d1 = degp[NP:, 0:1]

    hs, dinvB = _mm_scale(xp, W1, d0, d1)

    p = _agg(hs, ei[0], ei[1], zerosD)
    g2 = _mid(p[:NP], p[NP:], hs, dinvB, b1.reshape(1, H))

    q = _agg(g2, ei[0], ei[1], zerosD)
    out = _final(q[:NP], q[NP:], g2, dinvB, W2, b2.reshape(1, C))
    return out[:N]

# --- scband reference (transcript-rebuilt; emitter-appended) ---
"""Pipeline reference for scband-gcn-nc-43542378447162 (READ-ONLY COPY).

The authoritative reference and input builder live on the scoring server;
editing this copy changes nothing except your own understanding.
"""

import jax, jax.numpy as jnp
import numpy as np

N_NODES = 10000
N_EDGES = 320000
D_FEAT = 128
HIDDEN = 128
N_CLASSES = 40


def gcn_conv(x, src, dst, W, b, num_nodes):
    # add self loops
    loop = jnp.arange(num_nodes, dtype=src.dtype)
    src_full = jnp.concatenate([src, loop])
    dst_full = jnp.concatenate([dst, loop])
    # symmetric normalization D^{-1/2} (A+I) D^{-1/2}
    deg = jnp.zeros((num_nodes,), dtype=x.dtype).at[dst_full].add(1.0)
    dinv = jnp.where(deg > 0, 1.0 / jnp.sqrt(deg), 0.0)
    norm = dinv[src_full] * dinv[dst_full]
    h = x @ W
    msg = h[src_full] * norm[:, None]
    out = jax.ops.segment_sum(msg, dst_full, num_segments=num_nodes)
    return out + b


def setup_inputs(seed: int = 0) -> dict:
    key = jax.random.key(seed)
    k1, k2, k3, k4, k5 = jax.random.split(key, 5)
    x = jax.random.normal(k1, (N_NODES, D_FEAT), dtype=jnp.float32)
    edge_index = jax.random.randint(k2, (2, N_EDGES), 0, N_NODES, dtype=jnp.int64)
    s1 = 1.0 / np.sqrt(D_FEAT)
    s2 = 1.0 / np.sqrt(HIDDEN)
    W1 = jax.random.uniform(k3, (D_FEAT, HIDDEN), dtype=jnp.float32, minval=-s1, maxval=s1)
    b1 = jnp.zeros((HIDDEN,), dtype=jnp.float32)
    W2 = jax.random.uniform(k4, (HIDDEN, N_CLASSES), dtype=jnp.float32, minval=-s2, maxval=s2)
    b2 = jnp.zeros((N_CLASSES,), dtype=jnp.float32)
    return {"x": x, "edge_index": edge_index, "W1": W1, "b1": b1, "W2": W2, "b2": b2}


def reference(x, edge_index, W1, b1, W2, b2):
    src, dst = edge_index[0], edge_index[1]
    h = gcn_conv(x, src, dst, W1, b1, N_NODES)
    h = jax.nn.relu(h)
    # dropout is identity in eval mode
    h = gcn_conv(h, src, dst, W2, b2, N_NODES)
    return jax.nn.log_softmax(h, axis=1)

if __name__ == "__main__":
    import jax
    _d = setup_inputs()
    print(jax.jit(kernel)(*tuple(_d.values())))

</pallas_src>

<mosaic_0001>
#map = affine_map<(d0, d1) -> (0, 0)>
#map1 = affine_map<(d0, d1) -> (0)>
module attributes {stable_mosaic.version = 14 : i64} {
  func.func @_agg_body(%arg0: i32, %arg1: i32, %arg2: memref<10240x128xf32, #tpu.memory_space<hbm>>, %arg3: memref<320000xi32, #tpu.memory_space<hbm>>, %arg4: memref<320000xi32, #tpu.memory_space<hbm>>, %arg5: memref<10240x128xf32, #tpu.memory_space<hbm>>, %arg6: memref<20480x128xf32, #tpu.memory_space<hbm>>, %arg7: memref<10000xi32, #tpu.memory_space<vmem>>, %arg8: memref<80xi32, #tpu.memory_space<vmem>>, %arg9: memref<80xi32, #tpu.memory_space<vmem>>, %arg10: memref<80x128xf32, #tpu.memory_space<vmem>>, %arg11: memref<80x128xf32, #tpu.memory_space<vmem>>, %arg12: memref<10240x128xf32, #tpu.memory_space<vmem_shared>>, %arg13: memref<!tpu.dma_semaphore, #tpu.memory_space<semaphore_mem>>, %arg14: memref<!tpu.dma_semaphore, #tpu.memory_space<semaphore_mem>>, %arg15: memref<!tpu.dma_semaphore, #tpu.memory_space<semaphore_mem>>, %arg16: memref<!tpu.dma_semaphore, #tpu.memory_space<semaphore_mem>>) attributes {dimension_semantics = [#tpu.dimension_semantics<core_parallel>, #tpu.dimension_semantics<subcore_parallel>], iteration_bounds = array<i64: 2, 16>, scalar_prefetch = 0 : i64, scratch_operands = 10 : i64, tpu.core_type = #tpu.core_type<sc_vector_subcore>, window_params = [{transform_indices = #map}, {transform_indices = #map1}, {transform_indices = #map1}, {transform_indices = #map}, {transform_indices = #map}]} {
    %mul3A = arith.constant 16 : i32
    %mul3A_0 = arith.muli %arg0, %mul3A : i32
    %add3A = arith.addi %mul3A_0, %arg1 : i32
    %mul3A_1 = arith.constant 10000 : i32
    %mul3A_2 = arith.muli %add3A, %mul3A_1 : i32
    %mul3A_3 = arith.constant 640 : i32
    %mul3A_4 = arith.muli %arg1, %mul3A_3 : i32
    %mul3A_5 = arith.constant 640 : i32
    %mul3A_6 = arith.muli %arg1, %mul3A_5 : i32
    "tpu.region"() ({
      %run_scoped3A = tpu.sem_alloc : memref<!tpu.dma_semaphore, #tpu.memory_space<semaphore_mem>>
      %dma_start3A_44 = arith.constant 0 : i32
      %dma_start3A_45 = tpu.memref_slice %arg12[%mul3A_6, %dma_start3A_44] : memref<10240x128xf32, #tpu.memory_space<vmem_shared>> -> memref<640x128xf32, #tpu.memory_space<vmem_shared>>
      %dma_start3A_46 = arith.constant 0 : i32
      %dma_start3A_47 = tpu.memref_slice %arg5[%mul3A_4, %dma_start3A_46] : memref<10240x128xf32, #tpu.memory_space<hbm>> -> memref<640x128xf32, #tpu.memory_space<hbm>>
      tpu.enqueue_dma source(%dma_start3A_47 : memref<640x128xf32, #tpu.memory_space<hbm>>) target(%dma_start3A_45 : memref<640x128xf32, #tpu.memory_space<vmem_shared>>) target_semaphore(%run_scoped3A : memref<!tpu.dma_semaphore, #tpu.memory_space<semaphore_mem>>)
      %dma_wait3A_48 = arith.constant 0 : i32
      %dma_wait3A_49 = tpu.memref_slice %arg12[%mul3A_6, %dma_wait3A_48] : memref<10240x128xf32, #tpu.memory_space<vmem_shared>> -> memref<640x128xf32, #tpu.memory_space<vmem_shared>>
      %dma_wait3A_50 = arith.constant 0 : i32
      %dma_wait3A_51 = tpu.memref_slice %arg5[%mul3A_4, %dma_wait3A_50] : memref<10240x128xf32, #tpu.memory_space<hbm>> -> memref<640x128xf32, #tpu.memory_space<hbm>>
      tpu.wait_dma2 semaphore(%run_scoped3A : memref<!tpu.dma_semaphore, #tpu.memory_space<semaphore_mem>>) src(%dma_wait3A_51 : memref<640x128xf32, #tpu.memory_space<hbm>>) dst(%dma_wait3A_49 : memref<640x128xf32, #tpu.memory_space<vmem_shared>>)
      tpu.yield
    }) : () -> ()
    "tpu.region"() ({
      %run_scoped3A = tpu.sem_alloc : memref<!tpu.dma_semaphore, #tpu.memory_space<semaphore_mem>>
      %dma_start3A_44 = tpu.memref_slice %arg3[%mul3A_2] : memref<320000xi32, #tpu.memory_space<hbm>> -> memref<10000xi32, #tpu.memory_space<hbm>>
      %dma_start3A_45 = tpu.memref_slice %arg3[%mul3A_2] : memref<320000xi32, #tpu.memory_space<hbm>> -> memref<10000xi32, #tpu.memory_space<hbm>>
      tpu.enqueue_dma source(%dma_start3A_45 : memref<10000xi32, #tpu.memory_space<hbm>>) target(%arg7 : memref<10000xi32, #tpu.memory_space<vmem>>) target_semaphore(%run_scoped3A : memref<!tpu.dma_semaphore, #tpu.memory_space<semaphore_mem>>)
      %dma_wait3A_46 = tpu.memref_slice %arg3[%mul3A_2] : memref<320000xi32, #tpu.memory_space<hbm>> -> memref<10000xi32, #tpu.memory_space<hbm>>
      %dma_wait3A_47 = tpu.memref_slice %arg3[%mul3A_2] : memref<320000xi32, #tpu.memory_space<hbm>> -> memref<10000xi32, #tpu.memory_space<hbm>>
      tpu.wait_dma2 semaphore(%run_scoped3A : memref<!tpu.dma_semaphore, #tpu.memory_space<semaphore_mem>>) src(%dma_wait3A_47 : memref<10000xi32, #tpu.memory_space<hbm>>) dst(%arg7 : memref<10000xi32, #tpu.memory_space<vmem>>)
      tpu.yield
    }) : () -> ()
    %dma_start3A = tpu.memref_slice %arg4[%mul3A_2] : memref<320000xi32, #tpu.memory_space<hbm>> -> memref<80xi32, #tpu.memory_space<hbm>>
    %dma_start3A_7 = tpu.memref_slice %arg4[%mul3A_2] : memref<320000xi32, #tpu.memory_space<hbm>> -> memref<80xi32, #tpu.memory_space<hbm>>
    tpu.enqueue_dma source(%dma_start3A_7 : memref<80xi32, #tpu.memory_space<hbm>>) target(%arg8 : memref<80xi32, #tpu.memory_space<vmem>>) target_semaphore(%arg15 : memref<!tpu.dma_semaphore, #tpu.memory_space<semaphore_mem>>)
    %add3A_8 = arith.constant 80 : i32
    %add3A_9 = arith.addi %mul3A_2, %add3A_8 : i32
    %dma_start3A_10 = tpu.memref_slice %arg4[%add3A_9] : memref<320000xi32, #tpu.memory_space<hbm>> -> memref<80xi32, #tpu.memory_space<hbm>>
    %dma_start3A_11 = tpu.memref_slice %arg4[%add3A_9] : memref<320000xi32, #tpu.memory_space<hbm>> -> memref<80xi32, #tpu.memory_space<hbm>>
    tpu.enqueue_dma source(%dma_start3A_11 : memref<80xi32, #tpu.memory_space<hbm>>) target(%arg9 : memref<80xi32, #tpu.memory_space<vmem>>) target_semaphore(%arg16 : memref<!tpu.dma_semaphore, #tpu.memory_space<semaphore_mem>>)
    %dma_start3A_12 = arith.constant 0 : i32
    %dma_start3A_13 = tpu.memref_slice %arg7[%dma_start3A_12] : memref<10000xi32, #tpu.memory_space<vmem>> -> memref<80xi32, #tpu.memory_space<vmem>>
    %dma_start3A_14 = arith.constant 0 : i32
    %dma_start3A_15 = arith.constant 0 : i32
    %dma_start3A_16 = tpu.memref_slice %arg2[%dma_start3A_14, %dma_start3A_15] : memref<10240x128xf32, #tpu.memory_space<hbm>> -> memref<10240x128xf32, #tpu.memory_space<hbm>>
    tpu.enqueue_indirect_dma source(%dma_start3A_16 : memref<10240x128xf32, #tpu.memory_space<hbm>>) target(%arg10 : memref<80x128xf32, #tpu.memory_space<vmem>>) offsets(%dma_start3A_13 : memref<80xi32, #tpu.memory_space<vmem>>) semaphore(%arg13 : memref<!tpu.dma_semaphore, #tpu.memory_space<semaphore_mem>>)
    %dma_start3A_17 = arith.constant 80 : i32
    %dma_start3A_18 = tpu.memref_slice %arg7[%dma_start3A_17] : memref<10000xi32, #tpu.memory_space<vmem>> -> memref<80xi32, #tpu.memory_space<vmem>>
    %dma_start3A_19 = arith.constant 0 : i32
    %dma_start3A_20 = arith.constant 0 : i32
    %dma_start3A_21 = tpu.memref_slice %arg2[%dma_start3A_19, %dma_start3A_20] : memref<10240x128xf32, #tpu.memory_space<hbm>> -> memref<10240x128xf32, #tpu.memory_space<hbm>>
    tpu.enqueue_indirect_dma source(%dma_start3A_21 : memref<10240x128xf32, #tpu.memory_space<hbm>>) target(%arg11 : memref<80x128xf32, #tpu.memory_space<vmem>>) offsets(%dma_start3A_18 : memref<80xi32, #tpu.memory_space<vmem>>) semaphore(%arg14 : memref<!tpu.dma_semaphore, #tpu.memory_space<semaphore_mem>>)
    %barrier3A = arith.constant 0 : index
    tpu.barrier barrier_id(%barrier3A)
    %scan3A = arith.constant 0 : i32
    %scan3A_22 = arith.constant 0 : i32
    %scan3A_23 = arith.constant 62 : i32
    %scan3A_24 = arith.addi %scan3A_22, %scan3A_23 : i32
    %scan3A_25 = arith.constant 1 : i32
    scf.for %scan3A_44 = %scan3A_22 to %scan3A_24 step %scan3A_25  : i32 {
      %mul3A_45 = arith.constant 2 : i32
      %mul3A_46 = arith.muli %mul3A_45, %scan3A_44 : i32
      %add3A_47 = arith.constant 1 : i32
      %add3A_48 = arith.addi %mul3A_46, %add3A_47 : i32
      %dma_wait3A_49 = arith.constant 0 : i32
      %dma_wait3A_50 = arith.constant 0 : i32
      %dma_wait3A_51 = tpu.memref_slice %arg2[%dma_wait3A_49, %dma_wait3A_50] : memref<10240x128xf32, #tpu.memory_space<hbm>> -> memref<80x128xf32, #tpu.memory_space<hbm>>
      %dma_wait3A_52 = arith.constant 0 : i32
      %dma_wait3A_53 = arith.constant 0 : i32
      %dma_wait3A_54 = tpu.memref_slice %arg2[%dma_wait3A_52, %dma_wait3A_53] : memref<10240x128xf32, #tpu.memory_space<hbm>> -> memref<80x128xf32, #tpu.memory_space<hbm>>
      tpu.wait_dma2 semaphore(%arg13 : memref<!tpu.dma_semaphore, #tpu.memory_space<semaphore_mem>>) src(%dma_wait3A_54 : memref<80x128xf32, #tpu.memory_space<hbm>>) dst(%arg10 : memref<80x128xf32, #tpu.memory_space<vmem>>)
      %dma_wait3A_55 = arith.constant 0 : i32
      %dma_wait3A_56 = tpu.memref_slice %arg4[%dma_wait3A_55] : memref<320000xi32, #tpu.memory_space<hbm>> -> memref<80xi32, #tpu.memory_space<hbm>>
      %dma_wait3A_57 = arith.constant 0 : i32
      %dma_wait3A_58 = tpu.memref_slice %arg4[%dma_wait3A_57] : memref<320000xi32, #tpu.memory_space<hbm>> -> memref<80xi32, #tpu.memory_space<hbm>>
      tpu.wait_dma2 semaphore(%arg15 : memref<!tpu.dma_semaphore, #tpu.memory_space<semaphore_mem>>) src(%dma_wait3A_58 : memref<80xi32, #tpu.memory_space<hbm>>) dst(%arg8 : memref<80xi32, #tpu.memory_space<vmem>>)
      "tpu.region"() ({
        %run_scoped3A = tpu.sem_alloc : memref<!tpu.dma_semaphore, #tpu.memory_space<semaphore_mem>>
        %dma_start3A_80 = arith.constant 0 : i32
        %dma_start3A_81 = arith.constant 0 : i32
        %dma_start3A_82 = tpu.memref_slice %arg12[%dma_start3A_80, %dma_start3A_81] : memref<10240x128xf32, #tpu.memory_space<vmem_shared>> -> memref<10240x128xf32, #tpu.memory_space<vmem_shared>>
        tpu.enqueue_indirect_dma source(%arg10 : memref<80x128xf32, #tpu.memory_space<vmem>>) target(%dma_start3A_82 : memref<10240x128xf32, #tpu.memory_space<vmem_shared>>) offsets(%arg8 : memref<80xi32, #tpu.memory_space<vmem>>) semaphore(%run_scoped3A : memref<!tpu.dma_semaphore, #tpu.memory_space<semaphore_mem>>) {add = true}
        %dma_wait3A_83 = arith.constant 0 : i32
        %dma_wait3A_84 = arith.constant 0 : i32
        %dma_wait3A_85 = tpu.memref_slice %arg12[%dma_wait3A_83, %dma_wait3A_84] : memref<10240x128xf32, #tpu.memory_space<vmem_shared>> -> memref<10240x128xf32, #tpu.memory_space<vmem_shared>>
        tpu.wait_indirect_dma semaphore(%run_scoped3A : memref<!tpu.dma_semaphore, #tpu.memory_space<semaphore_mem>>) src(%arg10 : memref<80x128xf32, #tpu.memory_space<vmem>>) dst(%dma_wait3A_85 : memref<10240x128xf32, #tpu.memory_space<vmem_shared>>)
        tpu.yield
      }) : () -> ()
      %add3A_59 = arith.constant 2 : i32
      %add3A_60 = arith.addi %mul3A_46, %add3A_59 : i32
      %lt3A = arith.constant 125 : i32
      %lt3A_61 = arith.cmpi slt, %add3A_60, %lt3A : i32
      %convert_element_type3A = arith.extui %lt3A_61 : i1 to i32
      %cond3A = arith.constant 0 : i32
      %cond3A_62 = arith.cmpi ne, %convert_element_type3A, %cond3A : i32
      scf.if %cond3A_62 {
        %add3A_80 = arith.constant 2 : i32
        %add3A_81 = arith.addi %mul3A_46, %add3A_80 : i32
        %mul3A_82 = arith.constant 80 : i32
        %mul3A_83 = arith.muli %add3A_81, %mul3A_82 : i32
        %add3A_84 = arith.addi %mul3A_2, %mul3A_83 : i32
        %dma_start3A_85 = tpu.memref_slice %arg4[%add3A_84] : memref<320000xi32, #tpu.memory_space<hbm>> -> memref<80xi32, #tpu.memory_space<hbm>>
        %dma_start3A_86 = tpu.memref_slice %arg4[%add3A_84] : memref<320000xi32, #tpu.memory_space<hbm>> -> memref<80xi32, #tpu.memory_space<hbm>>
        tpu.enqueue_dma source(%dma_start3A_86 : memref<80xi32, #tpu.memory_space<hbm>>) target(%arg8 : memref<80xi32, #tpu.memory_space<vmem>>) target_semaphore(%arg15 : memref<!tpu.dma_semaphore, #tpu.memory_space<semaphore_mem>>)
        %add3A_87 = arith.constant 2 : i32
        %add3A_88 = arith.addi %mul3A_46, %add3A_87 : i32
        %mul3A_89 = arith.constant 80 : i32
        %mul3A_90 = arith.muli %add3A_88, %mul3A_89 : i32
        %dma_start3A_91 = tpu.memref_slice %arg7[%mul3A_90] : memref<10000xi32, #tpu.memory_space<vmem>> -> memref<80xi32, #tpu.memory_space<vmem>>
        %dma_start3A_92 = arith.constant 0 : i32
        %dma_start3A_93 = arith.constant 0 : i32
        %dma_start3A_94 = tpu.memref_slice %arg2[%dma_start3A_92, %dma_start3A_93] : memref<10240x128xf32, #tpu.memory_space<hbm>> -> memref<10240x128xf32, #tpu.memory_space<hbm>>
        tpu.enqueue_indirect_dma source(%dma_start3A_94 : memref<10240x128xf32, #tpu.memory_space<hbm>>) target(%arg10 : memref<80x128xf32, #tpu.memory_space<vmem>>) offsets(%dma_start3A_91 : memref<80xi32, #tpu.memory_space<vmem>>) semaphore(%arg13 : memref<!tpu.dma_semaphore, #tpu.memory_space<semaphore_mem>>)
      } else {
      }
      %dma_wait3A_63 = arith.constant 0 : i32
      %dma_wait3A_64 = arith.constant 0 : i32
      %dma_wait3A_65 = tpu.memref_slice %arg2[%dma_wait3A_63, %dma_wait3A_64] : memref<10240x128xf32, #tpu.memory_space<hbm>> -> memref<80x128xf32, #tpu.memory_space<hbm>>
      %dma_wait3A_66 = arith.constant 0 : i32
      %dma_wait3A_67 = arith.constant 0 : i32
      %dma_wait3A_68 = tpu.memref_slice %arg2[%dma_wait3A_66, %dma_wait3A_67] : memref<10240x128xf32, #tpu.memory_space<hbm>> -> memref<80x128xf32, #tpu.memory_space<hbm>>
      tpu.wait_dma2 semaphore(%arg14 : memref<!tpu.dma_semaphore, #tpu.memory_space<semaphore_mem>>) src(%dma_wait3A_68 : memref<80x128xf32, #tpu.memory_space<hbm>>) dst(%arg11 : memref<80x128xf32, #tpu.memory_space<vmem>>)
      %dma_wait3A_69 = arith.constant 0 : i32
      %dma_wait3A_70 = tpu.memref_slice %arg4[%dma_wait3A_69] : memref<320000xi32, #tpu.memory_space<hbm>> -> memref<80xi32, #tpu.memory_space<hbm>>
      %dma_wait3A_71 = arith.constant 0 : i32
      %dma_wait3A_72 = tpu.memref_slice %arg4[%dma_wait3A_71] : memref<320000xi32, #tpu.memory_space<hbm>> -> memref<80xi32, #tpu.memory_space<hbm>>
      tpu.wait_dma2 semaphore(%arg16 : memref<!tpu.dma_semaphore, #tpu.memory_space<semaphore_mem>>) src(%dma_wait3A_72 : memref<80xi32, #tpu.memory_space<hbm>>) dst(%arg9 : memref<80xi32, #tpu.memory_space<vmem>>)
      "tpu.region"() ({
        %run_scoped3A = tpu.sem_alloc : memref<!tpu.dma_semaphore, #tpu.memory_space<semaphore_mem>>
        %dma_start3A_80 = arith.constant 0 : i32
        %dma_start3A_81 = arith.constant 0 : i32
        %dma_start3A_82 = tpu.memref_slice %arg12[%dma_start3A_80, %dma_start3A_81] : memref<10240x128xf32, #tpu.memory_space<vmem_shared>> -> memref<10240x128xf32, #tpu.memory_space<vmem_shared>>
        tpu.enqueue_indirect_dma source(%arg11 : memref<80x128xf32, #tpu.memory_space<vmem>>) target(%dma_start3A_82 : memref<10240x128xf32, #tpu.memory_space<vmem_shared>>) offsets(%arg9 : memref<80xi32, #tpu.memory_space<vmem>>) semaphore(%run_scoped3A : memref<!tpu.dma_semaphore, #tpu.memory_space<semaphore_mem>>) {add = true}
        %dma_wait3A_83 = arith.constant 0 : i32
        %dma_wait3A_84 = arith.constant 0 : i32
        %dma_wait3A_85 = tpu.memref_slice %arg12[%dma_wait3A_83, %dma_wait3A_84] : memref<10240x128xf32, #tpu.memory_space<vmem_shared>> -> memref<10240x128xf32, #tpu.memory_space<vmem_shared>>
        tpu.wait_indirect_dma semaphore(%run_scoped3A : memref<!tpu.dma_semaphore, #tpu.memory_space<semaphore_mem>>) src(%arg11 : memref<80x128xf32, #tpu.memory_space<vmem>>) dst(%dma_wait3A_85 : memref<10240x128xf32, #tpu.memory_space<vmem_shared>>)
        tpu.yield
      }) : () -> ()
      %add3A_73 = arith.constant 2 : i32
      %add3A_74 = arith.addi %add3A_48, %add3A_73 : i32
      %lt3A_75 = arith.constant 125 : i32
      %lt3A_76 = arith.cmpi slt, %add3A_74, %lt3A_75 : i32
      %convert_element_type3A_77 = arith.extui %lt3A_76 : i1 to i32
      %cond3A_78 = arith.constant 0 : i32
      %cond3A_79 = arith.cmpi ne, %convert_element_type3A_77, %cond3A_78 : i32
      scf.if %cond3A_79 {
        %add3A_80 = arith.constant 2 : i32
        %add3A_81 = arith.addi %add3A_48, %add3A_80 : i32
        %mul3A_82 = arith.constant 80 : i32
        %mul3A_83 = arith.muli %add3A_81, %mul3A_82 : i32
        %add3A_84 = arith.addi %mul3A_2, %mul3A_83 : i32
        %dma_start3A_85 = tpu.memref_slice %arg4[%add3A_84] : memref<320000xi32, #tpu.memory_space<hbm>> -> memref<80xi32, #tpu.memory_space<hbm>>
        %dma_start3A_86 = tpu.memref_slice %arg4[%add3A_84] : memref<320000xi32, #tpu.memory_space<hbm>> -> memref<80xi32, #tpu.memory_space<hbm>>
        tpu.enqueue_dma source(%dma_start3A_86 : memref<80xi32, #tpu.memory_space<hbm>>) target(%arg9 : memref<80xi32, #tpu.memory_space<vmem>>) target_semaphore(%arg16 : memref<!tpu.dma_semaphore, #tpu.memory_space<semaphore_mem>>)
        %add3A_87 = arith.constant 2 : i32
        %add3A_88 = arith.addi %add3A_48, %add3A_87 : i32
        %mul3A_89 = arith.constant 80 : i32
        %mul3A_90 = arith.muli %add3A_88, %mul3A_89 : i32
        %dma_start3A_91 = tpu.memref_slice %arg7[%mul3A_90] : memref<10000xi32, #tpu.memory_space<vmem>> -> memref<80xi32, #tpu.memory_space<vmem>>
        %dma_start3A_92 = arith.constant 0 : i32
        %dma_start3A_93 = arith.constant 0 : i32
        %dma_start3A_94 = tpu.memref_slice %arg2[%dma_start3A_92, %dma_start3A_93] : memref<10240x128xf32, #tpu.memory_space<hbm>> -> memref<10240x128xf32, #tpu.memory_space<hbm>>
        tpu.enqueue_indirect_dma source(%dma_start3A_94 : memref<10240x128xf32, #tpu.memory_space<hbm>>) target(%arg11 : memref<80x128xf32, #tpu.memory_space<vmem>>) offsets(%dma_start3A_91 : memref<80xi32, #tpu.memory_space<vmem>>) semaphore(%arg14 : memref<!tpu.dma_semaphore, #tpu.memory_space<semaphore_mem>>)
      } else {
      }
    }
    %scan3A_26 = arith.constant 62 : i32
    %dma_wait3A = arith.constant 0 : i32
    %dma_wait3A_27 = arith.constant 0 : i32
    %dma_wait3A_28 = tpu.memref_slice %arg2[%dma_wait3A, %dma_wait3A_27] : memref<10240x128xf32, #tpu.memory_space<hbm>> -> memref<80x128xf32, #tpu.memory_space<hbm>>
    %dma_wait3A_29 = arith.constant 0 : i32
    %dma_wait3A_30 = arith.constant 0 : i32
    %dma_wait3A_31 = tpu.memref_slice %arg2[%dma_wait3A_29, %dma_wait3A_30] : memref<10240x128xf32, #tpu.memory_space<hbm>> -> memref<80x128xf32, #tpu.memory_space<hbm>>
    tpu.wait_dma2 semaphore(%arg13 : memref<!tpu.dma_semaphore, #tpu.memory_space<semaphore_mem>>) src(%dma_wait3A_31 : memref<80x128xf32, #tpu.memory_space<hbm>>) dst(%arg10 : memref<80x128xf32, #tpu.memory_space<vmem>>)
    %dma_wait3A_32 = arith.constant 0 : i32
    %dma_wait3A_33 = tpu.memref_slice %arg4[%dma_wait3A_32] : memref<320000xi32, #tpu.memory_space<hbm>> -> memref<80xi32, #tpu.memory_space<hbm>>
    %dma_wait3A_34 = arith.constant 0 : i32
    %dma_wait3A_35 = tpu.memref_slice %arg4[%dma_wait3A_34] : memref<320000xi32, #tpu.memory_space<hbm>> -> memref<80xi32, #tpu.memory_space<hbm>>
    tpu.wait_dma2 semaphore(%arg15 : memref<!tpu.dma_semaphore, #tpu.memory_space<semaphore_mem>>) src(%dma_wait3A_35 : memref<80xi32, #tpu.memory_space<hbm>>) dst(%arg8 : memref<80xi32, #tpu.memory_space<vmem>>)
    "tpu.region"() ({
      %run_scoped3A = tpu.sem_alloc : memref<!tpu.dma_semaphore, #tpu.memory_space<semaphore_mem>>
      %dma_start3A_44 = arith.constant 0 : i32
      %dma_start3A_45 = arith.constant 0 : i32
      %dma_start3A_46 = tpu.memref_slice %arg12[%dma_start3A_44, %dma_start3A_45] : memref<10240x128xf32, #tpu.memory_space<vmem_shared>> -> memref<10240x128xf32, #tpu.memory_space<vmem_shared>>
      tpu.enqueue_indirect_dma source(%arg10 : memref<80x128xf32, #tpu.memory_space<vmem>>) target(%dma_start3A_46 : memref<10240x128xf32, #tpu.memory_space<vmem_shared>>) offsets(%arg8 : memref<80xi32, #tpu.memory_space<vmem>>) semaphore(%run_scoped3A : memref<!tpu.dma_semaphore, #tpu.memory_space<semaphore_mem>>) {add = true}
      %dma_wait3A_47 = arith.constant 0 : i32
      %dma_wait3A_48 = arith.constant 0 : i32
      %dma_wait3A_49 = tpu.memref_slice %arg12[%dma_wait3A_47, %dma_wait3A_48] : memref<10240x128xf32, #tpu.memory_space<vmem_shared>> -> memref<10240x128xf32, #tpu.memory_space<vmem_shared>>
      tpu.wait_indirect_dma semaphore(%run_scoped3A : memref<!tpu.dma_semaphore, #tpu.memory_space<semaphore_mem>>) src(%arg10 : memref<80x128xf32, #tpu.memory_space<vmem>>) dst(%dma_wait3A_49 : memref<10240x128xf32, #tpu.memory_space<vmem_shared>>)
      tpu.yield
    }) : () -> ()
    %barrier3A_36 = arith.constant 0 : index
    tpu.barrier barrier_id(%barrier3A_36)
    %mul3A_37 = arith.constant 640 : i32
    %mul3A_38 = arith.muli %arg1, %mul3A_37 : i32
    %mul3A_39 = arith.constant 10240 : i32
    %mul3A_40 = arith.muli %arg0, %mul3A_39 : i32
    %mul3A_41 = arith.constant 640 : i32
    %mul3A_42 = arith.muli %arg1, %mul3A_41 : i32
    %add3A_43 = arith.addi %mul3A_40, %mul3A_42 : i32
    "tpu.region"() ({
      %run_scoped3A = tpu.sem_alloc : memref<!tpu.dma_semaphore, #tpu.memory_space<semaphore_mem>>
      %dma_start3A_44 = arith.constant 0 : i32
      %dma_start3A_45 = tpu.memref_slice %arg6[%add3A_43, %dma_start3A_44] : memref<20480x128xf32, #tpu.memory_space<hbm>> -> memref<640x128xf32, #tpu.memory_space<hbm>>
      %dma_start3A_46 = arith.constant 0 : i32
      %dma_start3A_47 = tpu.memref_slice %arg12[%mul3A_38, %dma_start3A_46] : memref<10240x128xf32, #tpu.memory_space<vmem_shared>> -> memref<640x128xf32, #tpu.memory_space<vmem_shared>>
      tpu.enqueue_dma source(%dma_start3A_47 : memref<640x128xf32, #tpu.memory_space<vmem_shared>>) target(%dma_start3A_45 : memref<640x128xf32, #tpu.memory_space<hbm>>) target_semaphore(%run_scoped3A : memref<!tpu.dma_semaphore, #tpu.memory_space<semaphore_mem>>)
      %dma_wait3A_48 = arith.constant 0 : i32
      %dma_wait3A_49 = tpu.memref_slice %arg6[%add3A_43, %dma_wait3A_48] : memref<20480x128xf32, #tpu.memory_space<hbm>> -> memref<640x128xf32, #tpu.memory_space<hbm>>
      %dma_wait3A_50 = arith.constant 0 : i32
      %dma_wait3A_51 = tpu.memref_slice %arg12[%mul3A_38, %dma_wait3A_50] : memref<10240x128xf32, #tpu.memory_space<vmem_shared>> -> memref<640x128xf32, #tpu.memory_space<vmem_shared>>
      tpu.wait_dma2 semaphore(%run_scoped3A : memref<!tpu.dma_semaphore, #tpu.memory_space<semaphore_mem>>) src(%dma_wait3A_51 : memref<640x128xf32, #tpu.memory_space<vmem_shared>>) dst(%dma_wait3A_49 : memref<640x128xf32, #tpu.memory_space<hbm>>)
      tpu.yield
    }) : () -> ()
    return
  }
}

#map = affine_map<(d0, d1) -> (0, 0, 0)>
#map1 = affine_map<(d0, d1) -> (0, 0)>
module attributes {stable_mosaic.version = 14 : i64} {
  func.func @_deg_body(%arg0: i32, %arg1: i32, %arg2: memref<32x125x80xi32, #tpu.memory_space<hbm>>, %arg3: memref<80x128xf32, #tpu.memory_space<hbm>>, %arg4: memref<10240x128xf32, #tpu.memory_space<hbm>>, %arg5: memref<20480x128xf32, #tpu.memory_space<hbm>>, %arg6: memref<80x128xf32, #tpu.memory_space<vmem>>, %arg7: memref<125x80xi32, #tpu.memory_space<vmem>>, %arg8: memref<10240x128xf32, #tpu.memory_space<vmem_shared>>) attributes {dimension_semantics = [#tpu.dimension_semantics<core_parallel>, #tpu.dimension_semantics<subcore_parallel>], iteration_bounds = array<i64: 2, 16>, scalar_prefetch = 0 : i64, scratch_operands = 3 : i64, tpu.core_type = #tpu.core_type<sc_vector_subcore>, window_params = [{transform_indices = #map}, {transform_indices = #map1}, {transform_indices = #map1}, {transform_indices = #map1}]} {
    %mul3A = arith.constant 16 : i32
    %mul3A_0 = arith.muli %arg0, %mul3A : i32
    %add3A = arith.addi %mul3A_0, %arg1 : i32
    "tpu.region"() ({
      %run_scoped3A = tpu.sem_alloc : memref<!tpu.dma_semaphore, #tpu.memory_space<semaphore_mem>>
      tpu.enqueue_dma source(%arg3 : memref<80x128xf32, #tpu.memory_space<hbm>>) target(%arg6 : memref<80x128xf32, #tpu.memory_space<vmem>>) target_semaphore(%run_scoped3A : memref<!tpu.dma_semaphore, #tpu.memory_space<semaphore_mem>>)
      tpu.wait_dma2 semaphore(%run_scoped3A : memref<!tpu.dma_semaphore, #tpu.memory_space<semaphore_mem>>) src(%arg3 : memref<80x128xf32, #tpu.memory_space<hbm>>) dst(%arg6 : memref<80x128xf32, #tpu.memory_space<vmem>>)
      tpu.yield
    }) : () -> ()
    %mul3A_1 = arith.constant 640 : i32
    %mul3A_2 = arith.muli %arg1, %mul3A_1 : i32
    %mul3A_3 = arith.constant 640 : i32
    %mul3A_4 = arith.muli %arg1, %mul3A_3 : i32
    "tpu.region"() ({
      %run_scoped3A = tpu.sem_alloc : memref<!tpu.dma_semaphore, #tpu.memory_space<semaphore_mem>>
      %dma_start3A = arith.constant 0 : i32
      %dma_start3A_18 = tpu.memref_slice %arg8[%mul3A_4, %dma_start3A] : memref<10240x128xf32, #tpu.memory_space<vmem_shared>> -> memref<640x128xf32, #tpu.memory_space<vmem_shared>>
      %dma_start3A_19 = arith.constant 0 : i32
      %dma_start3A_20 = tpu.memref_slice %arg4[%mul3A_2, %dma_start3A_19] : memref<10240x128xf32, #tpu.memory_space<hbm>> -> memref<640x128xf32, #tpu.memory_space<hbm>>
      tpu.enqueue_dma source(%dma_start3A_20 : memref<640x128xf32, #tpu.memory_space<hbm>>) target(%dma_start3A_18 : memref<640x128xf32, #tpu.memory_space<vmem_shared>>) target_semaphore(%run_scoped3A : memref<!tpu.dma_semaphore, #tpu.memory_space<semaphore_mem>>)
      %dma_wait3A = arith.constant 0 : i32
      %dma_wait3A_21 = tpu.memref_slice %arg8[%mul3A_4, %dma_wait3A] : memref<10240x128xf32, #tpu.memory_space<vmem_shared>> -> memref<640x128xf32, #tpu.memory_space<vmem_shared>>
      %dma_wait3A_22 = arith.constant 0 : i32
      %dma_wait3A_23 = tpu.memref_slice %arg4[%mul3A_2, %dma_wait3A_22] : memref<10240x128xf32, #tpu.memory_space<hbm>> -> memref<640x128xf32, #tpu.memory_space<hbm>>
      tpu.wait_dma2 semaphore(%run_scoped3A : memref<!tpu.dma_semaphore, #tpu.memory_space<semaphore_mem>>) src(%dma_wait3A_23 : memref<640x128xf32, #tpu.memory_space<hbm>>) dst(%dma_wait3A_21 : memref<640x128xf32, #tpu.memory_space<vmem_shared>>)
      tpu.yield
    }) : () -> ()
    "tpu.region"() ({
      %run_scoped3A = tpu.sem_alloc : memref<!tpu.dma_semaphore, #tpu.memory_space<semaphore_mem>>
      %dma_start3A = arith.constant 0 : i32
      %dma_start3A_18 = arith.constant 0 : i32
      %dma_start3A_19 = tpu.memref_slice %arg2[%add3A, %dma_start3A, %dma_start3A_18] : memref<32x125x80xi32, #tpu.memory_space<hbm>> -> memref<1x125x80xi32, #tpu.memory_space<hbm>>
      %dma_start3A_20 = tpu.memref_squeeze %dma_start3A_19 : memref<1x125x80xi32, #tpu.memory_space<hbm>> -> memref<125x80xi32, #tpu.memory_space<hbm>>
      %dma_start3A_21 = arith.constant 0 : i32
      %dma_start3A_22 = arith.constant 0 : i32
      %dma_start3A_23 = tpu.memref_slice %arg2[%add3A, %dma_start3A_21, %dma_start3A_22] : memref<32x125x80xi32, #tpu.memory_space<hbm>> -> memref<1x125x80xi32, #tpu.memory_space<hbm>>
      %dma_start3A_24 = tpu.memref_squeeze %dma_start3A_23 : memref<1x125x80xi32, #tpu.memory_space<hbm>> -> memref<125x80xi32, #tpu.memory_space<hbm>>
      tpu.enqueue_dma source(%dma_start3A_24 : memref<125x80xi32, #tpu.memory_space<hbm>>) target(%arg7 : memref<125x80xi32, #tpu.memory_space<vmem>>) target_semaphore(%run_scoped3A : memref<!tpu.dma_semaphore, #tpu.memory_space<semaphore_mem>>)
      %dma_wait3A = arith.constant 0 : i32
      %dma_wait3A_25 = arith.constant 0 : i32
      %dma_wait3A_26 = tpu.memref_slice %arg2[%add3A, %dma_wait3A, %dma_wait3A_25] : memref<32x125x80xi32, #tpu.memory_space<hbm>> -> memref<1x125x80xi32, #tpu.memory_space<hbm>>
      %dma_wait3A_27 = tpu.memref_squeeze %dma_wait3A_26 : memref<1x125x80xi32, #tpu.memory_space<hbm>> -> memref<125x80xi32, #tpu.memory_space<hbm>>
      %dma_wait3A_28 = arith.constant 0 : i32
      %dma_wait3A_29 = arith.constant 0 : i32
      %dma_wait3A_30 = tpu.memref_slice %arg2[%add3A, %dma_wait3A_28, %dma_wait3A_29] : memref<32x125x80xi32, #tpu.memory_space<hbm>> -> memref<1x125x80xi32, #tpu.memory_space<hbm>>
      %dma_wait3A_31 = tpu.memref_squeeze %dma_wait3A_30 : memref<1x125x80xi32, #tpu.memory_space<hbm>> -> memref<125x80xi32, #tpu.memory_space<hbm>>
      tpu.wait_dma2 semaphore(%run_scoped3A : memref<!tpu.dma_semaphore, #tpu.memory_space<semaphore_mem>>) src(%dma_wait3A_31 : memref<125x80xi32, #tpu.memory_space<hbm>>) dst(%arg7 : memref<125x80xi32, #tpu.memory_space<vmem>>)
      tpu.yield
    }) : () -> ()
    %barrier3A = arith.constant 0 : index
    tpu.barrier barrier_id(%barrier3A)
    %scan3A = arith.constant 0 : i32
    %scan3A_5 = arith.constant 0 : i32
    %scan3A_6 = arith.constant 125 : i32
    %scan3A_7 = arith.addi %scan3A_5, %scan3A_6 : i32
    %scan3A_8 = arith.constant 1 : i32
    scf.for %scan3A_18 = %scan3A_5 to %scan3A_7 step %scan3A_8  : i32 {
      "tpu.region"() ({
        %run_scoped3A = tpu.sem_alloc : memref<!tpu.dma_semaphore, #tpu.memory_space<semaphore_mem>>
        %dma_start3A = arith.constant 0 : i32
        %dma_start3A_19 = tpu.memref_slice %arg7[%scan3A_18, %dma_start3A] : memref<125x80xi32, #tpu.memory_space<vmem>> -> memref<1x80xi32, #tpu.memory_space<vmem>>
        %dma_start3A_20 = tpu.memref_squeeze %dma_start3A_19 : memref<1x80xi32, #tpu.memory_space<vmem>> -> memref<80xi32, #tpu.memory_space<vmem>>
        %dma_start3A_21 = arith.constant 0 : i32
        %dma_start3A_22 = arith.constant 0 : i32
        %dma_start3A_23 = tpu.memref_slice %arg8[%dma_start3A_21, %dma_start3A_22] : memref<10240x128xf32, #tpu.memory_space<vmem_shared>> -> memref<10240x128xf32, #tpu.memory_space<vmem_shared>>
        tpu.enqueue_indirect_dma source(%arg6 : memref<80x128xf32, #tpu.memory_space<vmem>>) target(%dma_start3A_23 : memref<10240x128xf32, #tpu.memory_space<vmem_shared>>) offsets(%dma_start3A_20 : memref<80xi32, #tpu.memory_space<vmem>>) semaphore(%run_scoped3A : memref<!tpu.dma_semaphore, #tpu.memory_space<semaphore_mem>>) {add = true}
        %dma_wait3A = arith.constant 0 : i32
        %dma_wait3A_24 = tpu.memref_slice %arg7[%scan3A_18, %dma_wait3A] : memref<125x80xi32, #tpu.memory_space<vmem>> -> memref<1x80xi32, #tpu.memory_space<vmem>>
        %dma_wait3A_25 = tpu.memref_squeeze %dma_wait3A_24 : memref<1x80xi32, #tpu.memory_space<vmem>> -> memref<80xi32, #tpu.memory_space<vmem>>
        %dma_wait3A_26 = arith.constant 0 : i32
        %dma_wait3A_27 = arith.constant 0 : i32
        %dma_wait3A_28 = tpu.memref_slice %arg8[%dma_wait3A_26, %dma_wait3A_27] : memref<10240x128xf32, #tpu.memory_space<vmem_shared>> -> memref<10240x128xf32, #tpu.memory_space<vmem_shared>>
        tpu.wait_indirect_dma semaphore(%run_scoped3A : memref<!tpu.dma_semaphore, #tpu.memory_space<semaphore_mem>>) src(%arg6 : memref<80x128xf32, #tpu.memory_space<vmem>>) dst(%dma_wait3A_28 : memref<10240x128xf32, #tpu.memory_space<vmem_shared>>)
        tpu.yield
      }) : () -> ()
    }
    %scan3A_9 = arith.constant 125 : i32
    %barrier3A_10 = arith.constant 0 : index
    tpu.barrier barrier_id(%barrier3A_10)
    %mul3A_11 = arith.constant 640 : i32
    %mul3A_12 = arith.muli %arg1, %mul3A_11 : i32
    %mul3A_13 = arith.constant 10240 : i32
    %mul3A_14 = arith.muli %arg0, %mul3A_13 : i32
    %mul3A_15 = arith.constant 640 : i32
    %mul3A_16 = arith.muli %arg1, %mul3A_15 : i32
    %add3A_17 = arith.addi %mul3A_14, %mul3A_16 : i32
    "tpu.region"() ({
      %run_scoped3A = tpu.sem_alloc : memref<!tpu.dma_semaphore, #tpu.memory_space<semaphore_mem>>
      %dma_start3A = arith.constant 0 : i32
      %dma_start3A_18 = tpu.memref_slice %arg5[%add3A_17, %dma_start3A] : memref<20480x128xf32, #tpu.memory_space<hbm>> -> memref<640x128xf32, #tpu.memory_space<hbm>>
      %dma_start3A_19 = arith.constant 0 : i32
      %dma_start3A_20 = tpu.memref_slice %arg8[%mul3A_12, %dma_start3A_19] : memref<10240x128xf32, #tpu.memory_space<vmem_shared>> -> memref<640x128xf32, #tpu.memory_space<vmem_shared>>
      tpu.enqueue_dma source(%dma_start3A_20 : memref<640x128xf32, #tpu.memory_space<vmem_shared>>) target(%dma_start3A_18 : memref<640x128xf32, #tpu.memory_space<hbm>>) target_semaphore(%run_scoped3A : memref<!tpu.dma_semaphore, #tpu.memory_space<semaphore_mem>>)
      %dma_wait3A = arith.constant 0 : i32
      %dma_wait3A_21 = tpu.memref_slice %arg5[%add3A_17, %dma_wait3A] : memref<20480x128xf32, #tpu.memory_space<hbm>> -> memref<640x128xf32, #tpu.memory_space<hbm>>
      %dma_wait3A_22 = arith.constant 0 : i32
      %dma_wait3A_23 = tpu.memref_slice %arg8[%mul3A_12, %dma_wait3A_22] : memref<10240x128xf32, #tpu.memory_space<vmem_shared>> -> memref<640x128xf32, #tpu.memory_space<vmem_shared>>
      tpu.wait_dma2 semaphore(%run_scoped3A : memref<!tpu.dma_semaphore, #tpu.memory_space<semaphore_mem>>) src(%dma_wait3A_23 : memref<640x128xf32, #tpu.memory_space<vmem_shared>>) dst(%dma_wait3A_21 : memref<640x128xf32, #tpu.memory_space<hbm>>)
      tpu.yield
    }) : () -> ()
    return
  }
}

#map = affine_map<(d0, d1) -> (0, 0)>
#map1 = affine_map<(d0, d1) -> (0)>
module attributes {stable_mosaic.version = 14 : i64} {
  func.func @_agg_body(%arg0: i32, %arg1: i32, %arg2: memref<10240x128xf32, #tpu.memory_space<hbm>>, %arg3: memref<320000xi32, #tpu.memory_space<hbm>>, %arg4: memref<320000xi32, #tpu.memory_space<hbm>>, %arg5: memref<10240x128xf32, #tpu.memory_space<hbm>>, %arg6: memref<20480x128xf32, #tpu.memory_space<hbm>>, %arg7: memref<10000xi32, #tpu.memory_space<vmem>>, %arg8: memref<80xi32, #tpu.memory_space<vmem>>, %arg9: memref<80xi32, #tpu.memory_space<vmem>>, %arg10: memref<80x128xf32, #tpu.memory_space<vmem>>, %arg11: memref<80x128xf32, #tpu.memory_space<vmem>>, %arg12: memref<10240x128xf32, #tpu.memory_space<vmem_shared>>, %arg13: memref<!tpu.dma_semaphore, #tpu.memory_space<semaphore_mem>>, %arg14: memref<!tpu.dma_semaphore, #tpu.memory_space<semaphore_mem>>, %arg15: memref<!tpu.dma_semaphore, #tpu.memory_space<semaphore_mem>>, %arg16: memref<!tpu.dma_semaphore, #tpu.memory_space<semaphore_mem>>) attributes {dimension_semantics = [#tpu.dimension_semantics<core_parallel>, #tpu.dimension_semantics<subcore_parallel>], iteration_bounds = array<i64: 2, 16>, scalar_prefetch = 0 : i64, scratch_operands = 10 : i64, tpu.core_type = #tpu.core_type<sc_vector_subcore>, window_params = [{transform_indices = #map}, {transform_indices = #map1}, {transform_indices = #map1}, {transform_indices = #map}, {transform_indices = #map}]} {
    %mul3A = arith.constant 16 : i32
    %mul3A_0 = arith.muli %arg0, %mul3A : i32
    %add3A = arith.addi %mul3A_0, %arg1 : i32
    %mul3A_1 = arith.constant 10000 : i32
    %mul3A_2 = arith.muli %add3A, %mul3A_1 : i32
    %mul3A_3 = arith.constant 640 : i32
    %mul3A_4 = arith.muli %arg1, %mul3A_3 : i32
    %mul3A_5 = arith.constant 640 : i32
    %mul3A_6 = arith.muli %arg1, %mul3A_5 : i32
    "tpu.region"() ({
      %run_scoped3A = tpu.sem_alloc : memref<!tpu.dma_semaphore, #tpu.memory_space<semaphore_mem>>
      %dma_start3A_44 = arith.constant 0 : i32
      %dma_start3A_45 = tpu.memref_slice %arg12[%mul3A_6, %dma_start3A_44] : memref<10240x128xf32, #tpu.memory_space<vmem_shared>> -> memref<640x128xf32, #tpu.memory_space<vmem_shared>>
      %dma_start3A_46 = arith.constant 0 : i32
      %dma_start3A_47 = tpu.memref_slice %arg5[%mul3A_4, %dma_start3A_46] : memref<10240x128xf32, #tpu.memory_space<hbm>> -> memref<640x128xf32, #tpu.memory_space<hbm>>
      tpu.enqueue_dma source(%dma_start3A_47 : memref<640x128xf32, #tpu.memory_space<hbm>>) target(%dma_start3A_45 : memref<640x128xf32, #tpu.memory_space<vmem_shared>>) target_semaphore(%run_scoped3A : memref<!tpu.dma_semaphore, #tpu.memory_space<semaphore_mem>>)
      %dma_wait3A_48 = arith.constant 0 : i32
      %dma_wait3A_49 = tpu.memref_slice %arg12[%mul3A_6, %dma_wait3A_48] : memref<10240x128xf32, #tpu.memory_space<vmem_shared>> -> memref<640x128xf32, #tpu.memory_space<vmem_shared>>
      %dma_wait3A_50 = arith.constant 0 : i32
      %dma_wait3A_51 = tpu.memref_slice %arg5[%mul3A_4, %dma_wait3A_50] : memref<10240x128xf32, #tpu.memory_space<hbm>> -> memref<640x128xf32, #tpu.memory_space<hbm>>
      tpu.wait_dma2 semaphore(%run_scoped3A : memref<!tpu.dma_semaphore, #tpu.memory_space<semaphore_mem>>) src(%dma_wait3A_51 : memref<640x128xf32, #tpu.memory_space<hbm>>) dst(%dma_wait3A_49 : memref<640x128xf32, #tpu.memory_space<vmem_shared>>)
      tpu.yield
    }) : () -> ()
    "tpu.region"() ({
      %run_scoped3A = tpu.sem_alloc : memref<!tpu.dma_semaphore, #tpu.memory_space<semaphore_mem>>
      %dma_start3A_44 = tpu.memref_slice %arg3[%mul3A_2] : memref<320000xi32, #tpu.memory_space<hbm>> -> memref<10000xi32, #tpu.memory_space<hbm>>
      %dma_start3A_45 = tpu.memref_slice %arg3[%mul3A_2] : memref<320000xi32, #tpu.memory_space<hbm>> -> memref<10000xi32, #tpu.memory_space<hbm>>
      tpu.enqueue_dma source(%dma_start3A_45 : memref<10000xi32, #tpu.memory_space<hbm>>) target(%arg7 : memref<10000xi32, #tpu.memory_space<vmem>>) target_semaphore(%run_scoped3A : memref<!tpu.dma_semaphore, #tpu.memory_space<semaphore_mem>>)
      %dma_wait3A_46 = tpu.memref_slice %arg3[%mul3A_2] : memref<320000xi32, #tpu.memory_space<hbm>> -> memref<10000xi32, #tpu.memory_space<hbm>>
      %dma_wait3A_47 = tpu.memref_slice %arg3[%mul3A_2] : memref<320000xi32, #tpu.memory_space<hbm>> -> memref<10000xi32, #tpu.memory_space<hbm>>
      tpu.wait_dma2 semaphore(%run_scoped3A : memref<!tpu.dma_semaphore, #tpu.memory_space<semaphore_mem>>) src(%dma_wait3A_47 : memref<10000xi32, #tpu.memory_space<hbm>>) dst(%arg7 : memref<10000xi32, #tpu.memory_space<vmem>>)
      tpu.yield
    }) : () -> ()
    %dma_start3A = tpu.memref_slice %arg4[%mul3A_2] : memref<320000xi32, #tpu.memory_space<hbm>> -> memref<80xi32, #tpu.memory_space<hbm>>
    %dma_start3A_7 = tpu.memref_slice %arg4[%mul3A_2] : memref<320000xi32, #tpu.memory_space<hbm>> -> memref<80xi32, #tpu.memory_space<hbm>>
    tpu.enqueue_dma source(%dma_start3A_7 : memref<80xi32, #tpu.memory_space<hbm>>) target(%arg8 : memref<80xi32, #tpu.memory_space<vmem>>) target_semaphore(%arg15 : memref<!tpu.dma_semaphore, #tpu.memory_space<semaphore_mem>>)
    %add3A_8 = arith.constant 80 : i32
    %add3A_9 = arith.addi %mul3A_2, %add3A_8 : i32
    %dma_start3A_10 = tpu.memref_slice %arg4[%add3A_9] : memref<320000xi32, #tpu.memory_space<hbm>> -> memref<80xi32, #tpu.memory_space<hbm>>
    %dma_start3A_11 = tpu.memref_slice %arg4[%add3A_9] : memref<320000xi32, #tpu.memory_space<hbm>> -> memref<80xi32, #tpu.memory_space<hbm>>
    tpu.enqueue_dma source(%dma_start3A_11 : memref<80xi32, #tpu.memory_space<hbm>>) target(%arg9 : memref<80xi32, #tpu.memory_space<vmem>>) target_semaphore(%arg16 : memref<!tpu.dma_semaphore, #tpu.memory_space<semaphore_mem>>)
    %dma_start3A_12 = arith.constant 0 : i32
    %dma_start3A_13 = tpu.memref_slice %arg7[%dma_start3A_12] : memref<10000xi32, #tpu.memory_space<vmem>> -> memref<80xi32, #tpu.memory_space<vmem>>
    %dma_start3A_14 = arith.constant 0 : i32
    %dma_start3A_15 = arith.constant 0 : i32
    %dma_start3A_16 = tpu.memref_slice %arg2[%dma_start3A_14, %dma_start3A_15] : memref<10240x128xf32, #tpu.memory_space<hbm>> -> memref<10240x128xf32, #tpu.memory_space<hbm>>
    tpu.enqueue_indirect_dma source(%dma_start3A_16 : memref<10240x128xf32, #tpu.memory_space<hbm>>) target(%arg10 : memref<80x128xf32, #tpu.memory_space<vmem>>) offsets(%dma_start3A_13 : memref<80xi32, #tpu.memory_space<vmem>>) semaphore(%arg13 : memref<!tpu.dma_semaphore, #tpu.memory_space<semaphore_mem>>)
    %dma_start3A_17 = arith.constant 80 : i32
    %dma_start3A_18 = tpu.memref_slice %arg7[%dma_start3A_17] : memref<10000xi32, #tpu.memory_space<vmem>> -> memref<80xi32, #tpu.memory_space<vmem>>
    %dma_start3A_19 = arith.constant 0 : i32
    %dma_start3A_20 = arith.constant 0 : i32
    %dma_start3A_21 = tpu.memref_slice %arg2[%dma_start3A_19, %dma_start3A_20] : memref<10240x128xf32, #tpu.memory_space<hbm>> -> memref<10240x128xf32, #tpu.memory_space<hbm>>
    tpu.enqueue_indirect_dma source(%dma_start3A_21 : memref<10240x128xf32, #tpu.memory_space<hbm>>) target(%arg11 : memref<80x128xf32, #tpu.memory_space<vmem>>) offsets(%dma_start3A_18 : memref<80xi32, #tpu.memory_space<vmem>>) semaphore(%arg14 : memref<!tpu.dma_semaphore, #tpu.memory_space<semaphore_mem>>)
    %barrier3A = arith.constant 0 : index
    tpu.barrier barrier_id(%barrier3A)
    %scan3A = arith.constant 0 : i32
    %scan3A_22 = arith.constant 0 : i32
    %scan3A_23 = arith.constant 62 : i32
    %scan3A_24 = arith.addi %scan3A_22, %scan3A_23 : i32
    %scan3A_25 = arith.constant 1 : i32
    scf.for %scan3A_44 = %scan3A_22 to %scan3A_24 step %scan3A_25  : i32 {
      %mul3A_45 = arith.constant 2 : i32
      %mul3A_46 = arith.muli %mul3A_45, %scan3A_44 : i32
      %add3A_47 = arith.constant 1 : i32
      %add3A_48 = arith.addi %mul3A_46, %add3A_47 : i32
      %dma_wait3A_49 = arith.constant 0 : i32
      %dma_wait3A_50 = arith.constant 0 : i32
      %dma_wait3A_51 = tpu.memref_slice %arg2[%dma_wait3A_49, %dma_wait3A_50] : memref<10240x128xf32, #tpu.memory_space<hbm>> -> memref<80x128xf32, #tpu.memory_space<hbm>>
      %dma_wait3A_52 = arith.constant 0 : i32
      %dma_wait3A_53 = arith.constant 0 : i32
      %dma_wait3A_54 = tpu.memref_slice %arg2[%dma_wait3A_52, %dma_wait3A_53] : memref<10240x128xf32, #tpu.memory_space<hbm>> -> memref<80x128xf32, #tpu.memory_space<hbm>>
      tpu.wait_dma2 semaphore(%arg13 : memref<!tpu.dma_semaphore, #tpu.memory_space<semaphore_mem>>) src(%dma_wait3A_54 : memref<80x128xf32, #tpu.memory_space<hbm>>) dst(%arg10 : memref<80x128xf32, #tpu.memory_space<vmem>>)
      %dma_wait3A_55 = arith.constant 0 : i32
      %dma_wait3A_56 = tpu.memref_slice %arg4[%dma_wait3A_55] : memref<320000xi32, #tpu.memory_space<hbm>> -> memref<80xi32, #tpu.memory_space<hbm>>
      %dma_wait3A_57 = arith.constant 0 : i32
      %dma_wait3A_58 = tpu.memref_slice %arg4[%dma_wait3A_57] : memref<320000xi32, #tpu.memory_space<hbm>> -> memref<80xi32, #tpu.memory_space<hbm>>
      tpu.wait_dma2 semaphore(%arg15 : memref<!tpu.dma_semaphore, #tpu.memory_space<semaphore_mem>>) src(%dma_wait3A_58 : memref<80xi32, #tpu.memory_space<hbm>>) dst(%arg8 : memref<80xi32, #tpu.memory_space<vmem>>)
      "tpu.region"() ({
        %run_scoped3A = tpu.sem_alloc : memref<!tpu.dma_semaphore, #tpu.memory_space<semaphore_mem>>
        %dma_start3A_80 = arith.constant 0 : i32
        %dma_start3A_81 = arith.constant 0 : i32
        %dma_start3A_82 = tpu.memref_slice %arg12[%dma_start3A_80, %dma_start3A_81] : memref<10240x128xf32, #tpu.memory_space<vmem_shared>> -> memref<10240x128xf32, #tpu.memory_space<vmem_shared>>
        tpu.enqueue_indirect_dma source(%arg10 : memref<80x128xf32, #tpu.memory_space<vmem>>) target(%dma_start3A_82 : memref<10240x128xf32, #tpu.memory_space<vmem_shared>>) offsets(%arg8 : memref<80xi32, #tpu.memory_space<vmem>>) semaphore(%run_scoped3A : memref<!tpu.dma_semaphore, #tpu.memory_space<semaphore_mem>>) {add = true}
        %dma_wait3A_83 = arith.constant 0 : i32
        %dma_wait3A_84 = arith.constant 0 : i32
        %dma_wait3A_85 = tpu.memref_slice %arg12[%dma_wait3A_83, %dma_wait3A_84] : memref<10240x128xf32, #tpu.memory_space<vmem_shared>> -> memref<10240x128xf32, #tpu.memory_space<vmem_shared>>
        tpu.wait_indirect_dma semaphore(%run_scoped3A : memref<!tpu.dma_semaphore, #tpu.memory_space<semaphore_mem>>) src(%arg10 : memref<80x128xf32, #tpu.memory_space<vmem>>) dst(%dma_wait3A_85 : memref<10240x128xf32, #tpu.memory_space<vmem_shared>>)
        tpu.yield
      }) : () -> ()
      %add3A_59 = arith.constant 2 : i32
      %add3A_60 = arith.addi %mul3A_46, %add3A_59 : i32
      %lt3A = arith.constant 125 : i32
      %lt3A_61 = arith.cmpi slt, %add3A_60, %lt3A : i32
      %convert_element_type3A = arith.extui %lt3A_61 : i1 to i32
      %cond3A = arith.constant 0 : i32
      %cond3A_62 = arith.cmpi ne, %convert_element_type3A, %cond3A : i32
      scf.if %cond3A_62 {
        %add3A_80 = arith.constant 2 : i32
        %add3A_81 = arith.addi %mul3A_46, %add3A_80 : i32
        %mul3A_82 = arith.constant 80 : i32
        %mul3A_83 = arith.muli %add3A_81, %mul3A_82 : i32
        %add3A_84 = arith.addi %mul3A_2, %mul3A_83 : i32
        %dma_start3A_85 = tpu.memref_slice %arg4[%add3A_84] : memref<320000xi32, #tpu.memory_space<hbm>> -> memref<80xi32, #tpu.memory_space<hbm>>
        %dma_start3A_86 = tpu.memref_slice %arg4[%add3A_84] : memref<320000xi32, #tpu.memory_space<hbm>> -> memref<80xi32, #tpu.memory_space<hbm>>
        tpu.enqueue_dma source(%dma_start3A_86 : memref<80xi32, #tpu.memory_space<hbm>>) target(%arg8 : memref<80xi32, #tpu.memory_space<vmem>>) target_semaphore(%arg15 : memref<!tpu.dma_semaphore, #tpu.memory_space<semaphore_mem>>)
        %add3A_87 = arith.constant 2 : i32
        %add3A_88 = arith.addi %mul3A_46, %add3A_87 : i32
        %mul3A_89 = arith.constant 80 : i32
        %mul3A_90 = arith.muli %add3A_88, %mul3A_89 : i32
        %dma_start3A_91 = tpu.memref_slice %arg7[%mul3A_90] : memref<10000xi32, #tpu.memory_space<vmem>> -> memref<80xi32, #tpu.memory_space<vmem>>
        %dma_start3A_92 = arith.constant 0 : i32
        %dma_start3A_93 = arith.constant 0 : i32
        %dma_start3A_94 = tpu.memref_slice %arg2[%dma_start3A_92, %dma_start3A_93] : memref<10240x128xf32, #tpu.memory_space<hbm>> -> memref<10240x128xf32, #tpu.memory_space<hbm>>
        tpu.enqueue_indirect_dma source(%dma_start3A_94 : memref<10240x128xf32, #tpu.memory_space<hbm>>) target(%arg10 : memref<80x128xf32, #tpu.memory_space<vmem>>) offsets(%dma_start3A_91 : memref<80xi32, #tpu.memory_space<vmem>>) semaphore(%arg13 : memref<!tpu.dma_semaphore, #tpu.memory_space<semaphore_mem>>)
      } else {
      }
      %dma_wait3A_63 = arith.constant 0 : i32
      %dma_wait3A_64 = arith.constant 0 : i32
      %dma_wait3A_65 = tpu.memref_slice %arg2[%dma_wait3A_63, %dma_wait3A_64] : memref<10240x128xf32, #tpu.memory_space<hbm>> -> memref<80x128xf32, #tpu.memory_space<hbm>>
      %dma_wait3A_66 = arith.constant 0 : i32
      %dma_wait3A_67 = arith.constant 0 : i32
      %dma_wait3A_68 = tpu.memref_slice %arg2[%dma_wait3A_66, %dma_wait3A_67] : memref<10240x128xf32, #tpu.memory_space<hbm>> -> memref<80x128xf32, #tpu.memory_space<hbm>>
      tpu.wait_dma2 semaphore(%arg14 : memref<!tpu.dma_semaphore, #tpu.memory_space<semaphore_mem>>) src(%dma_wait3A_68 : memref<80x128xf32, #tpu.memory_space<hbm>>) dst(%arg11 : memref<80x128xf32, #tpu.memory_space<vmem>>)
      %dma_wait3A_69 = arith.constant 0 : i32
      %dma_wait3A_70 = tpu.memref_slice %arg4[%dma_wait3A_69] : memref<320000xi32, #tpu.memory_space<hbm>> -> memref<80xi32, #tpu.memory_space<hbm>>
      %dma_wait3A_71 = arith.constant 0 : i32
      %dma_wait3A_72 = tpu.memref_slice %arg4[%dma_wait3A_71] : memref<320000xi32, #tpu.memory_space<hbm>> -> memref<80xi32, #tpu.memory_space<hbm>>
      tpu.wait_dma2 semaphore(%arg16 : memref<!tpu.dma_semaphore, #tpu.memory_space<semaphore_mem>>) src(%dma_wait3A_72 : memref<80xi32, #tpu.memory_space<hbm>>) dst(%arg9 : memref<80xi32, #tpu.memory_space<vmem>>)
      "tpu.region"() ({
        %run_scoped3A = tpu.sem_alloc : memref<!tpu.dma_semaphore, #tpu.memory_space<semaphore_mem>>
        %dma_start3A_80 = arith.constant 0 : i32
        %dma_start3A_81 = arith.constant 0 : i32
        %dma_start3A_82 = tpu.memref_slice %arg12[%dma_start3A_80, %dma_start3A_81] : memref<10240x128xf32, #tpu.memory_space<vmem_shared>> -> memref<10240x128xf32, #tpu.memory_space<vmem_shared>>
        tpu.enqueue_indirect_dma source(%arg11 : memref<80x128xf32, #tpu.memory_space<vmem>>) target(%dma_start3A_82 : memref<10240x128xf32, #tpu.memory_space<vmem_shared>>) offsets(%arg9 : memref<80xi32, #tpu.memory_space<vmem>>) semaphore(%run_scoped3A : memref<!tpu.dma_semaphore, #tpu.memory_space<semaphore_mem>>) {add = true}
        %dma_wait3A_83 = arith.constant 0 : i32
        %dma_wait3A_84 = arith.constant 0 : i32
        %dma_wait3A_85 = tpu.memref_slice %arg12[%dma_wait3A_83, %dma_wait3A_84] : memref<10240x128xf32, #tpu.memory_space<vmem_shared>> -> memref<10240x128xf32, #tpu.memory_space<vmem_shared>>
        tpu.wait_indirect_dma semaphore(%run_scoped3A : memref<!tpu.dma_semaphore, #tpu.memory_space<semaphore_mem>>) src(%arg11 : memref<80x128xf32, #tpu.memory_space<vmem>>) dst(%dma_wait3A_85 : memref<10240x128xf32, #tpu.memory_space<vmem_shared>>)
        tpu.yield
      }) : () -> ()
      %add3A_73 = arith.constant 2 : i32
      %add3A_74 = arith.addi %add3A_48, %add3A_73 : i32
      %lt3A_75 = arith.constant 125 : i32
      %lt3A_76 = arith.cmpi slt, %add3A_74, %lt3A_75 : i32
      %convert_element_type3A_77 = arith.extui %lt3A_76 : i1 to i32
      %cond3A_78 = arith.constant 0 : i32
      %cond3A_79 = arith.cmpi ne, %convert_element_type3A_77, %cond3A_78 : i32
      scf.if %cond3A_79 {
        %add3A_80 = arith.constant 2 : i32
        %add3A_81 = arith.addi %add3A_48, %add3A_80 : i32
        %mul3A_82 = arith.constant 80 : i32
        %mul3A_83 = arith.muli %add3A_81, %mul3A_82 : i32
        %add3A_84 = arith.addi %mul3A_2, %mul3A_83 : i32
        %dma_start3A_85 = tpu.memref_slice %arg4[%add3A_84] : memref<320000xi32, #tpu.memory_space<hbm>> -> memref<80xi32, #tpu.memory_space<hbm>>
        %dma_start3A_86 = tpu.memref_slice %arg4[%add3A_84] : memref<320000xi32, #tpu.memory_space<hbm>> -> memref<80xi32, #tpu.memory_space<hbm>>
        tpu.enqueue_dma source(%dma_start3A_86 : memref<80xi32, #tpu.memory_space<hbm>>) target(%arg9 : memref<80xi32, #tpu.memory_space<vmem>>) target_semaphore(%arg16 : memref<!tpu.dma_semaphore, #tpu.memory_space<semaphore_mem>>)
        %add3A_87 = arith.constant 2 : i32
        %add3A_88 = arith.addi %add3A_48, %add3A_87 : i32
        %mul3A_89 = arith.constant 80 : i32
        %mul3A_90 = arith.muli %add3A_88, %mul3A_89 : i32
        %dma_start3A_91 = tpu.memref_slice %arg7[%mul3A_90] : memref<10000xi32, #tpu.memory_space<vmem>> -> memref<80xi32, #tpu.memory_space<vmem>>
        %dma_start3A_92 = arith.constant 0 : i32
        %dma_start3A_93 = arith.constant 0 : i32
        %dma_start3A_94 = tpu.memref_slice %arg2[%dma_start3A_92, %dma_start3A_93] : memref<10240x128xf32, #tpu.memory_space<hbm>> -> memref<10240x128xf32, #tpu.memory_space<hbm>>
        tpu.enqueue_indirect_dma source(%dma_start3A_94 : memref<10240x128xf32, #tpu.memory_space<hbm>>) target(%arg11 : memref<80x128xf32, #tpu.memory_space<vmem>>) offsets(%dma_start3A_91 : memref<80xi32, #tpu.memory_space<vmem>>) semaphore(%arg14 : memref<!tpu.dma_semaphore, #tpu.memory_space<semaphore_mem>>)
      } else {
      }
    }
    %scan3A_26 = arith.constant 62 : i32
    %dma_wait3A = arith.constant 0 : i32
    %dma_wait3A_27 = arith.constant 0 : i32
    %dma_wait3A_28 = tpu.memref_slice %arg2[%dma_wait3A, %dma_wait3A_27] : memref<10240x128xf32, #tpu.memory_space<hbm>> -> memref<80x128xf32, #tpu.memory_space<hbm>>
    %dma_wait3A_29 = arith.constant 0 : i32
    %dma_wait3A_30 = arith.constant 0 : i32
    %dma_wait3A_31 = tpu.memref_slice %arg2[%dma_wait3A_29, %dma_wait3A_30] : memref<10240x128xf32, #tpu.memory_space<hbm>> -> memref<80x128xf32, #tpu.memory_space<hbm>>
    tpu.wait_dma2 semaphore(%arg13 : memref<!tpu.dma_semaphore, #tpu.memory_space<semaphore_mem>>) src(%dma_wait3A_31 : memref<80x128xf32, #tpu.memory_space<hbm>>) dst(%arg10 : memref<80x128xf32, #tpu.memory_space<vmem>>)
    %dma_wait3A_32 = arith.constant 0 : i32
    %dma_wait3A_33 = tpu.memref_slice %arg4[%dma_wait3A_32] : memref<320000xi32, #tpu.memory_space<hbm>> -> memref<80xi32, #tpu.memory_space<hbm>>
    %dma_wait3A_34 = arith.constant 0 : i32
    %dma_wait3A_35 = tpu.memref_slice %arg4[%dma_wait3A_34] : memref<320000xi32, #tpu.memory_space<hbm>> -> memref<80xi32, #tpu.memory_space<hbm>>
    tpu.wait_dma2 semaphore(%arg15 : memref<!tpu.dma_semaphore, #tpu.memory_space<semaphore_mem>>) src(%dma_wait3A_35 : memref<80xi32, #tpu.memory_space<hbm>>) dst(%arg8 : memref<80xi32, #tpu.memory_space<vmem>>)
    "tpu.region"() ({
      %run_scoped3A = tpu.sem_alloc : memref<!tpu.dma_semaphore, #tpu.memory_space<semaphore_mem>>
      %dma_start3A_44 = arith.constant 0 : i32
      %dma_start3A_45 = arith.constant 0 : i32
      %dma_start3A_46 = tpu.memref_slice %arg12[%dma_start3A_44, %dma_start3A_45] : memref<10240x128xf32, #tpu.memory_space<vmem_shared>> -> memref<10240x128xf32, #tpu.memory_space<vmem_shared>>
      tpu.enqueue_indirect_dma source(%arg10 : memref<80x128xf32, #tpu.memory_space<vmem>>) target(%dma_start3A_46 : memref<10240x128xf32, #tpu.memory_space<vmem_shared>>) offsets(%arg8 : memref<80xi32, #tpu.memory_space<vmem>>) semaphore(%run_scoped3A : memref<!tpu.dma_semaphore, #tpu.memory_space<semaphore_mem>>) {add = true}
      %dma_wait3A_47 = arith.constant 0 : i32
      %dma_wait3A_48 = arith.constant 0 : i32
      %dma_wait3A_49 = tpu.memref_slice %arg12[%dma_wait3A_47, %dma_wait3A_48] : memref<10240x128xf32, #tpu.memory_space<vmem_shared>> -> memref<10240x128xf32, #tpu.memory_space<vmem_shared>>
      tpu.wait_indirect_dma semaphore(%run_scoped3A : memref<!tpu.dma_semaphore, #tpu.memory_space<semaphore_mem>>) src(%arg10 : memref<80x128xf32, #tpu.memory_space<vmem>>) dst(%dma_wait3A_49 : memref<10240x128xf32, #tpu.memory_space<vmem_shared>>)
      tpu.yield
    }) : () -> ()
    %barrier3A_36 = arith.constant 0 : index
    tpu.barrier barrier_id(%barrier3A_36)
    %mul3A_37 = arith.constant 640 : i32
    %mul3A_38 = arith.muli %arg1, %mul3A_37 : i32
    %mul3A_39 = arith.constant 10240 : i32
    %mul3A_40 = arith.muli %arg0, %mul3A_39 : i32
    %mul3A_41 = arith.constant 640 : i32
    %mul3A_42 = arith.muli %arg1, %mul3A_41 : i32
    %add3A_43 = arith.addi %mul3A_40, %mul3A_42 : i32
    "tpu.region"() ({
      %run_scoped3A = tpu.sem_alloc : memref<!tpu.dma_semaphore, #tpu.memory_space<semaphore_mem>>
      %dma_start3A_44 = arith.constant 0 : i32
      %dma_start3A_45 = tpu.memref_slice %arg6[%add3A_43, %dma_start3A_44] : memref<20480x128xf32, #tpu.memory_space<hbm>> -> memref<640x128xf32, #tpu.memory_space<hbm>>
      %dma_start3A_46 = arith.constant 0 : i32
      %dma_start3A_47 = tpu.memref_slice %arg12[%mul3A_38, %dma_start3A_46] : memref<10240x128xf32, #tpu.memory_space<vmem_shared>> -> memref<640x128xf32, #tpu.memory_space<vmem_shared>>
      tpu.enqueue_dma source(%dma_start3A_47 : memref<640x128xf32, #tpu.memory_space<vmem_shared>>) target(%dma_start3A_45 : memref<640x128xf32, #tpu.memory_space<hbm>>) target_semaphore(%run_scoped3A : memref<!tpu.dma_semaphore, #tpu.memory_space<semaphore_mem>>)
      %dma_wait3A_48 = arith.constant 0 : i32
      %dma_wait3A_49 = tpu.memref_slice %arg6[%add3A_43, %dma_wait3A_48] : memref<20480x128xf32, #tpu.memory_space<hbm>> -> memref<640x128xf32, #tpu.memory_space<hbm>>
      %dma_wait3A_50 = arith.constant 0 : i32
      %dma_wait3A_51 = tpu.memref_slice %arg12[%mul3A_38, %dma_wait3A_50] : memref<10240x128xf32, #tpu.memory_space<vmem_shared>> -> memref<640x128xf32, #tpu.memory_space<vmem_shared>>
      tpu.wait_dma2 semaphore(%run_scoped3A : memref<!tpu.dma_semaphore, #tpu.memory_space<semaphore_mem>>) src(%dma_wait3A_51 : memref<640x128xf32, #tpu.memory_space<vmem_shared>>) dst(%dma_wait3A_49 : memref<640x128xf32, #tpu.memory_space<hbm>>)
      tpu.yield
    }) : () -> ()
    return
  }
}

module attributes {stable_mosaic.version = 14 : i64} {
  func.func @_mm_scale_kernel(%arg0: i32, %arg1: memref<1024x128xf32, #tpu.memory_space<vmem>>, %arg2: memref<128x128xf32, #tpu.memory_space<vmem>>, %arg3: memref<1024x1xf32, #tpu.memory_space<vmem>>, %arg4: memref<1024x1xf32, #tpu.memory_space<vmem>>, %arg5: memref<1024x128xf32, #tpu.memory_space<vmem>>, %arg6: memref<1024x128xf32, #tpu.memory_space<vmem>>) attributes {dimension_semantics = [#tpu.dimension_semantics<arbitrary>], iteration_bounds = array<i64: 10>, scalar_prefetch = 0 : i64, scratch_operands = 0 : i64, tpu.core_type = #tpu.core_type<tc>, window_params = [{transform_indices = @transform_0, window_bounds = array<i64: 1024, 128>}, {pipeline_mode = #tpu.pipeline_mode<synchronous>, transform_indices = @transform_1, window_bounds = array<i64: 128, 128>}, {transform_indices = @transform_2, window_bounds = array<i64: 1024, 1>}, {transform_indices = @transform_3, window_bounds = array<i64: 1024, 1>}, {transform_indices = @transform_4, window_bounds = array<i64: 1024, 128>}, {transform_indices = @transform_5, window_bounds = array<i64: 1024, 128>}]} {
    %get3A = arith.constant 0 : index
    %get3A_0 = arith.constant 0 : index
    %get3A_1 = vector.load %arg3[%get3A, %get3A_0] : memref<1024x1xf32, #tpu.memory_space<vmem>>, vector<1024x1xf32>
    %get3A_2 = arith.constant 0 : index
    %get3A_3 = arith.constant 0 : index
    %get3A_4 = vector.load %arg4[%get3A_2, %get3A_3] : memref<1024x1xf32, #tpu.memory_space<vmem>>, vector<1024x1xf32>
    %add3A = arith.addf %get3A_1, %get3A_4 : vector<1024x1xf32>
    %add3A_5 = arith.constant 1.000000e+00 : f32
    %add3A_6 = vector.broadcast %add3A_5 : f32 to vector<1024x1xf32>
    %add3A_7 = arith.addf %add3A, %add3A_6 : vector<1024x1xf32>
    %rsqrt3A = math.rsqrt %add3A_7 : vector<1024x1xf32>
    %get3A_8 = arith.constant 0 : index
    %get3A_9 = arith.constant 0 : index
    %get3A_10 = vector.load %arg1[%get3A_8, %get3A_9] : memref<1024x128xf32, #tpu.memory_space<vmem>>, vector<1024x128xf32>
    %get3A_11 = arith.constant 0 : index
    %get3A_12 = arith.constant 0 : index
    %get3A_13 = vector.load %arg2[%get3A_11, %get3A_12] : memref<128x128xf32, #tpu.memory_space<vmem>>, vector<128x128xf32>
    %dot_general3A = arith.constant dense<0.000000e+00> : vector<1024x128xf32>
    %dot_general3A_14 = tpu.matmul %get3A_10, %get3A_13, %dot_general3A {dimension_numbers = #tpu.dot_dimension_numbers<[1], [0], [0], [1], [0, 0, 1, 1], [], []>, transpose_lhs_hint = false} : vector<1024x128xf32>, vector<128x128xf32>, vector<1024x128xf32> -> vector<1024x128xf32>
    %mul3A = vector.broadcast %rsqrt3A : vector<1024x1xf32> to vector<1024x128xf32>
    %mul3A_15 = arith.mulf %dot_general3A_14, %mul3A : vector<1024x128xf32>
    %swap3A = arith.constant 0 : index
    %swap3A_16 = arith.constant 0 : index
    %swap3A_17 = vector.load %arg5[%swap3A, %swap3A_16] : memref<1024x128xf32, #tpu.memory_space<vmem>>, vector<1024x128xf32>
    tpu.vector_store %arg5[%swap3A, %swap3A_16], %mul3A_15 {strides = array<i32>} : memref<1024x128xf32, #tpu.memory_space<vmem>>, vector<1024x128xf32>,
    %broadcast_in_dim3A = vector.shape_cast %rsqrt3A : vector<1024x1xf32> to vector<1024x1xf32>
    %broadcast_in_dim3A_18 = vector.broadcast %broadcast_in_dim3A : vector<1024x1xf32> to vector<1024x128xf32>
    %swap3A_19 = arith.constant 0 : index
    %swap3A_20 = arith.constant 0 : index
    %swap3A_21 = vector.load %arg6[%swap3A_19, %swap3A_20] : memref<1024x128xf32, #tpu.memory_space<vmem>>, vector<1024x128xf32>
    tpu.vector_store %arg6[%swap3A_19, %swap3A_20], %broadcast_in_dim3A_18 {strides = array<i32>} : memref<1024x128xf32, #tpu.memory_space<vmem>>, vector<1024x128xf32>,
    return
  }
  func.func @transform_0(%arg0: i32) -> (i32, i32) {
    %c0_i32 = arith.constant 0 : i32
    %c0_i32_0 = arith.constant 0 : i32
    return %arg0, %c0_i32 : i32, i32
  }
  func.func @transform_1(%arg0: i32) -> (i32, i32) {
    %c0_i32 = arith.constant 0 : i32
    %c0_i32_0 = arith.constant 0 : i32
    %c0_i32_1 = arith.constant 0 : i32
    return %c0_i32, %c0_i32_0 : i32, i32
  }
  func.func @transform_2(%arg0: i32) -> (i32, i32) {
    %c0_i32 = arith.constant 0 : i32
    %c0_i32_0 = arith.constant 0 : i32
    return %arg0, %c0_i32 : i32, i32
  }
  func.func @transform_3(%arg0: i32) -> (i32, i32) {
    %c0_i32 = arith.constant 0 : i32
    %c0_i32_0 = arith.constant 0 : i32
    return %arg0, %c0_i32 : i32, i32
  }
  func.func @transform_4(%arg0: i32) -> (i32, i32) {
    %c0_i32 = arith.constant 0 : i32
    %c0_i32_0 = arith.constant 0 : i32
    return %arg0, %c0_i32 : i32, i32
  }
  func.func @transform_5(%arg0: i32) -> (i32, i32) {
    %c0_i32 = arith.constant 0 : i32
    %c0_i32_0 = arith.constant 0 : i32
    return %arg0, %c0_i32 : i32, i32
  }
}

module attributes {stable_mosaic.version = 14 : i64} {
  func.func @_mid_kernel(%arg0: i32, %arg1: memref<1024x128xf32, #tpu.memory_space<vmem>>, %arg2: memref<1024x128xf32, #tpu.memory_space<vmem>>, %arg3: memref<1024x128xf32, #tpu.memory_space<vmem>>, %arg4: memref<1024x128xf32, #tpu.memory_space<vmem>>, %arg5: memref<1x128xf32, #tpu.memory_space<vmem>>, %arg6: memref<1024x128xf32, #tpu.memory_space<vmem>>) attributes {dimension_semantics = [#tpu.dimension_semantics<arbitrary>], iteration_bounds = array<i64: 10>, scalar_prefetch = 0 : i64, scratch_operands = 0 : i64, tpu.core_type = #tpu.core_type<tc>, window_params = [{transform_indices = @transform_0, window_bounds = array<i64: 1024, 128>}, {transform_indices = @transform_1, window_bounds = array<i64: 1024, 128>}, {transform_indices = @transform_2, window_bounds = array<i64: 1024, 128>}, {transform_indices = @transform_3, window_bounds = array<i64: 1024, 128>}, {pipeline_mode = #tpu.pipeline_mode<synchronous>, transform_indices = @transform_4, window_bounds = array<i64: 1, 128>}, {transform_indices = @transform_5, window_bounds = array<i64: 1024, 128>}]} {
    %get3A = arith.constant 0 : index
    %get3A_0 = arith.constant 0 : index
    %get3A_1 = vector.load %arg1[%get3A, %get3A_0] : memref<1024x128xf32, #tpu.memory_space<vmem>>, vector<1024x128xf32>
    %get3A_2 = arith.constant 0 : index
    %get3A_3 = arith.constant 0 : index
    %get3A_4 = vector.load %arg2[%get3A_2, %get3A_3] : memref<1024x128xf32, #tpu.memory_space<vmem>>, vector<1024x128xf32>
    %add3A = arith.addf %get3A_1, %get3A_4 : vector<1024x128xf32>
    %get3A_5 = arith.constant 0 : index
    %get3A_6 = arith.constant 0 : index
    %get3A_7 = vector.load %arg3[%get3A_5, %get3A_6] : memref<1024x128xf32, #tpu.memory_space<vmem>>, vector<1024x128xf32>
    %add3A_8 = arith.addf %add3A, %get3A_7 : vector<1024x128xf32>
    %get3A_9 = arith.constant 0 : index
    %get3A_10 = arith.constant 0 : index
    %get3A_11 = vector.load %arg4[%get3A_9, %get3A_10] : memref<1024x128xf32, #tpu.memory_space<vmem>>, vector<1024x128xf32>
    %mul3A = arith.mulf %add3A_8, %get3A_11 : vector<1024x128xf32>
    %get3A_12 = arith.constant 0 : index
    %get3A_13 = arith.constant 0 : index
    %get3A_14 = vector.load %arg5[%get3A_12, %get3A_13] : memref<1x128xf32, #tpu.memory_space<vmem>>, vector<1x128xf32>
    %add3A_15 = vector.broadcast %get3A_14 : vector<1x128xf32> to vector<1024x128xf32>
    %add3A_16 = arith.addf %mul3A, %add3A_15 : vector<1024x128xf32>
    %max3A = arith.constant 0.000000e+00 : f32
    %max3A_17 = vector.broadcast %max3A : f32 to vector<1024x128xf32>
    %max3A_18 = arith.maximumf %add3A_16, %max3A_17 : vector<1024x128xf32>
    %get3A_19 = arith.constant 0 : index
    %get3A_20 = arith.constant 0 : index
    %get3A_21 = vector.load %arg4[%get3A_19, %get3A_20] : memref<1024x128xf32, #tpu.memory_space<vmem>>, vector<1024x128xf32>
    %mul3A_22 = arith.mulf %max3A_18, %get3A_21 : vector<1024x128xf32>
    %swap3A = arith.constant 0 : index
    %swap3A_23 = arith.constant 0 : index
    %swap3A_24 = vector.load %arg6[%swap3A, %swap3A_23] : memref<1024x128xf32, #tpu.memory_space<vmem>>, vector<1024x128xf32>
    tpu.vector_store %arg6[%swap3A, %swap3A_23], %mul3A_22 {strides = array<i32>} : memref<1024x128xf32, #tpu.memory_space<vmem>>, vector<1024x128xf32>,
    return
  }
  func.func @transform_0(%arg0: i32) -> (i32, i32) {
    %c0_i32 = arith.constant 0 : i32
    %c0_i32_0 = arith.constant 0 : i32
    return %arg0, %c0_i32 : i32, i32
  }
  func.func @transform_1(%arg0: i32) -> (i32, i32) {
    %c0_i32 = arith.constant 0 : i32
    %c0_i32_0 = arith.constant 0 : i32
    return %arg0, %c0_i32 : i32, i32
  }
  func.func @transform_2(%arg0: i32) -> (i32, i32) {
    %c0_i32 = arith.constant 0 : i32
    %c0_i32_0 = arith.constant 0 : i32
    return %arg0, %c0_i32 : i32, i32
  }
  func.func @transform_3(%arg0: i32) -> (i32, i32) {
    %c0_i32 = arith.constant 0 : i32
    %c0_i32_0 = arith.constant 0 : i32
    return %arg0, %c0_i32 : i32, i32
  }
  func.func @transform_4(%arg0: i32) -> (i32, i32) {
    %c0_i32 = arith.constant 0 : i32
    %c0_i32_0 = arith.constant 0 : i32
    %c0_i32_1 = arith.constant 0 : i32
    return %c0_i32, %c0_i32_0 : i32, i32
  }
  func.func @transform_5(%arg0: i32) -> (i32, i32) {
    %c0_i32 = arith.constant 0 : i32
    %c0_i32_0 = arith.constant 0 : i32
    return %arg0, %c0_i32 : i32, i32
  }
}

module attributes {stable_mosaic.version = 14 : i64} {
  func.func @_final_kernel(%arg0: i32, %arg1: memref<1024x128xf32, #tpu.memory_space<vmem>>, %arg2: memref<1024x128xf32, #tpu.memory_space<vmem>>, %arg3: memref<1024x128xf32, #tpu.memory_space<vmem>>, %arg4: memref<1024x128xf32, #tpu.memory_space<vmem>>, %arg5: memref<128x40xf32, #tpu.memory_space<vmem>>, %arg6: memref<1x40xf32, #tpu.memory_space<vmem>>, %arg7: memref<1024x40xf32, #tpu.memory_space<vmem>>) attributes {dimension_semantics = [#tpu.dimension_semantics<arbitrary>], iteration_bounds = array<i64: 10>, scalar_prefetch = 0 : i64, scratch_operands = 0 : i64, tpu.core_type = #tpu.core_type<tc>, window_params = [{transform_indices = @transform_0, window_bounds = array<i64: 1024, 128>}, {transform_indices = @transform_1, window_bounds = array<i64: 1024, 128>}, {transform_indices = @transform_2, window_bounds = array<i64: 1024, 128>}, {transform_indices = @transform_3, window_bounds = array<i64: 1024, 128>}, {pipeline_mode = #tpu.pipeline_mode<synchronous>, transform_indices = @transform_4, window_bounds = array<i64: 128, 40>}, {pipeline_mode = #tpu.pipeline_mode<synchronous>, transform_indices = @transform_5, window_bounds = array<i64: 1, 40>}, {transform_indices = @transform_6, window_bounds = array<i64: 1024, 40>}]} {
    %get3A = arith.constant 0 : index
    %get3A_0 = arith.constant 0 : index
    %get3A_1 = vector.load %arg1[%get3A, %get3A_0] : memref<1024x128xf32, #tpu.memory_space<vmem>>, vector<1024x128xf32>
    %get3A_2 = arith.constant 0 : index
    %get3A_3 = arith.constant 0 : index
    %get3A_4 = vector.load %arg2[%get3A_2, %get3A_3] : memref<1024x128xf32, #tpu.memory_space<vmem>>, vector<1024x128xf32>
    %add3A = arith.addf %get3A_1, %get3A_4 : vector<1024x128xf32>
    %get3A_5 = arith.constant 0 : index
    %get3A_6 = arith.constant 0 : index
    %get3A_7 = vector.load %arg3[%get3A_5, %get3A_6] : memref<1024x128xf32, #tpu.memory_space<vmem>>, vector<1024x128xf32>
    %add3A_8 = arith.addf %add3A, %get3A_7 : vector<1024x128xf32>
    %get3A_9 = arith.constant 0 : index
    %get3A_10 = arith.constant 0 : index
    %get3A_11 = vector.load %arg4[%get3A_9, %get3A_10] : memref<1024x128xf32, #tpu.memory_space<vmem>>, vector<1024x128xf32>
    %mul3A = arith.mulf %add3A_8, %get3A_11 : vector<1024x128xf32>
    %get3A_12 = arith.constant 0 : index
    %get3A_13 = arith.constant 0 : index
    %get3A_14 = vector.load %arg5[%get3A_12, %get3A_13] : memref<128x40xf32, #tpu.memory_space<vmem>>, vector<128x40xf32>
    %dot_general3A = arith.constant dense<0.000000e+00> : vector<1024x40xf32>
    %dot_general3A_15 = tpu.matmul %mul3A, %get3A_14, %dot_general3A {dimension_numbers = #tpu.dot_dimension_numbers<[1], [0], [0], [1], [0, 0, 1, 1], [], []>, transpose_lhs_hint = false} : vector<1024x128xf32>, vector<128x40xf32>, vector<1024x40xf32> -> vector<1024x40xf32>
    %get3A_16 = arith.constant 0 : index
    %get3A_17 = arith.constant 0 : index
    %get3A_18 = vector.load %arg6[%get3A_16, %get3A_17] : memref<1x40xf32, #tpu.memory_space<vmem>>, vector<1x40xf32>
    %add3A_19 = vector.broadcast %get3A_18 : vector<1x40xf32> to vector<1024x40xf32>
    %add3A_20 = arith.addf %dot_general3A_15, %add3A_19 : vector<1024x40xf32>
    %reduce_max3A = arith.constant dense<0xFF800000> : vector<1024xf32>
    %reduce_max3A_21 = vector.multi_reduction <maximumf>, %add3A_20, %reduce_max3A [1] : vector<1024x40xf32> to vector<1024xf32>
    %broadcast_in_dim3A = vector.shape_cast %reduce_max3A_21 : vector<1024xf32> to vector<1024x1xf32>
    %sub3A = vector.broadcast %broadcast_in_dim3A : vector<1024x1xf32> to vector<1024x40xf32>
    %sub3A_22 = arith.subf %add3A_20, %sub3A : vector<1024x40xf32>
    %exp3A = math.exp %sub3A_22 : vector<1024x40xf32>
    %reduce_sum3A = arith.constant dense<0.000000e+00> : vector<1024xf32>
    %reduce_sum3A_23 = vector.multi_reduction <add>, %exp3A, %reduce_sum3A [1] : vector<1024x40xf32> to vector<1024xf32>
    %broadcast_in_dim3A_24 = vector.shape_cast %reduce_sum3A_23 : vector<1024xf32> to vector<1024x1xf32>
    %log3A = math.log %broadcast_in_dim3A_24 : vector<1024x1xf32>
    %sub3A_25 = vector.broadcast %log3A : vector<1024x1xf32> to vector<1024x40xf32>
    %sub3A_26 = arith.subf %sub3A_22, %sub3A_25 : vector<1024x40xf32>
    %swap3A = arith.constant 0 : index
    %swap3A_27 = arith.constant 0 : index
    %swap3A_28 = vector.load %arg7[%swap3A, %swap3A_27] : memref<1024x40xf32, #tpu.memory_space<vmem>>, vector<1024x40xf32>
    tpu.vector_store %arg7[%swap3A, %swap3A_27], %sub3A_26 {strides = array<i32>} : memref<1024x40xf32, #tpu.memory_space<vmem>>, vector<1024x40xf32>,
    return
  }
  func.func @transform_0(%arg0: i32) -> (i32, i32) {
    %c0_i32 = arith.constant 0 : i32
    %c0_i32_0 = arith.constant 0 : i32
    return %arg0, %c0_i32 : i32, i32
  }
  func.func @transform_1(%arg0: i32) -> (i32, i32) {
    %c0_i32 = arith.constant 0 : i32
    %c0_i32_0 = arith.constant 0 : i32
    return %arg0, %c0_i32 : i32, i32
  }
  func.func @transform_2(%arg0: i32) -> (i32, i32) {
    %c0_i32 = arith.constant 0 : i32
    %c0_i32_0 = arith.constant 0 : i32
    return %arg0, %c0_i32 : i32, i32
  }
  func.func @transform_3(%arg0: i32) -> (i32, i32) {
    %c0_i32 = arith.constant 0 : i32
    %c0_i32_0 = arith.constant 0 : i32
    return %arg0, %c0_i32 : i32, i32
  }
  func.func @transform_4(%arg0: i32) -> (i32, i32) {
    %c0_i32 = arith.constant 0 : i32
    %c0_i32_0 = arith.constant 0 : i32
    %c0_i32_1 = arith.constant 0 : i32
    return %c0_i32, %c0_i32_0 : i32, i32
  }
  func.func @transform_5(%arg0: i32) -> (i32, i32) {
    %c0_i32 = arith.constant 0 : i32
    %c0_i32_0 = arith.constant 0 : i32
    %c0_i32_1 = arith.constant 0 : i32
    return %c0_i32, %c0_i32_0 : i32, i32
  }
  func.func @transform_6(%arg0: i32) -> (i32, i32) {
    %c0_i32 = arith.constant 0 : i32
    %c0_i32_0 = arith.constant 0 : i32
    return %arg0, %c0_i32 : i32, i32
  }
}

</mosaic_0001>

<sc_bundles>
// kernel: kernel.11.cloned.1.call-start
scs
__scs_entry_jumppad:
0x0: {  	(pc) =	sbr.rel $0x88, $3  }
0x1: {  	(tag) =	ssettag $0x0;
	lr =	simm.s32 $0x1  }
0x2: {  	[smem:$0x3F9B] =	sst lr;
	_ =	strace $0xD0000000  }
0x3: {  	_ = 	snop  }
0x4: {  	_ = 	snop  }
0x5: {  	_ = 	snop  }
0x6: {  	_ = 	snop  }
0x7: {  	_ = 	snop  }
__scs_overlays_trampoline_lowered:
0x8: {  	[smem:$0x3FAA] =	sst s0  }
0x9: {  	[smem:$0x3FAB] =	sst s1  }
0xa: {  	[smem:$0x3FAC] =	sst s2  }
0xb: {  	[smem:$0x3FAD] =	sst s3  }
0xc: {  	[smem:$0x3FAE] =	sst s4  }
0xd: {  	[smem:$0x3FAF] =	sst s5  }
0xe: {  	[smem:$0x3FB0] =	sst s6  }
0xf: {  	[smem:$0x3FB1] =	sst s7  }
0x10: {  	[smem:$0x3FB2] =	sst s8  }
0x11: {  	[smem:$0x3FB3] =	sst s9;
	s0 =	simm.s32 @!p0 $0x0  }
0x12: {  	s1 =	sld [smem:$0x3F99];
	s0 =	simm.s32 @p0 $0x1  }
0x13: {  	[smem:$0x3FB4] =	sst s0;
	s0 =	simm.s32 @!p1 $0x0  }
0x14: {  	s2 =	sld [smem:$0x3F98];
	s0 =	simm.s32 @p1 $0x1  }
0x15: {  	[smem:$0x3FB5] =	sst s0;
	s0 =	simm.s32 @!p2 $0x0  }
0x16: {  	s3 =	sld [smem:$0x3FDB];
	s0 =	simm.s32 @p2 $0x1  }
0x17: {  	s4 =	simm.s32 $0x1BF5;
	[smem:$0x3FB7] =	sst s0  }
0x18: {  	s0 =	sld [smem:$0x3F9A];
	_ =	swait.ge [sflag:s4], $0x0  }
0x19: {  	s7 =	sld [smem:$0x3F9B]  }
0x1a: {  	s8 =	sadd.s32 $0xFFFFE003, lr  }
0x1b: {  	s9 =	sadd.s32 $0xFFFFFEF7, lr;
	s5 =	simm.s32 $0xFFFFFFFF;
	p2 =	slt.u32 s8, $0xFFFFF086  }
0x1c: {  	p1 =	slt.u32 s9, $0xF7A;
	s5 =	simm.s32 @!p2 $0x0  }
0x1d: {  	s5 =	simm.s32 @p1 $0x1;
	p0 =	seq.s32 s7, s2  }
0x1e: {  	s7 =	smul.u32 @!p0 $0xF7A, s2;
	p2 =	seq.s32 @!p0 s5, $0x0  }
0x1f: {  	s9 =	smul.u32 $0xF7A, s1;
	s8 =	simm.s32 @!p0 $0x1BF5;
	p2 =	por !p2, p0  }
0x20: {  	[sflag:s8] =	ssyncset.s32 @!p0 $0xFFFFF086;
	s6 =	sadd.s32 @!p0 s3, s7;
	s7 =	simm.s32 @!p0 $0x108  }
0x21: {  	s3 =	sadd.s32 s3, s9;
	s6 =	sadd.s32 @!p0 $0x88, s6;
	s7 =	simm.s32 @p2 $0x1082  }
0x22: {  	[simem:s7], [sflag:s8] =	dma.local @!p0 [hbm:s6], $0xF7A  }
0x23: {  	s9 =	sor.u32 $0xD0000000, s2;
	s6 =	simm.s32 $0x108;
	_ =	swait.ge @!p0 [sflag:s8], $0x0  }
0x24: {  	s3 =	sadd.s32 $0x88, s3;
	s6 =	simm.s32 @!p1 $0x1082;
	[sflag:s4] =	ssyncset.s32 $0xFFFFF086  }
0x25: {  	[simem:s6], [sflag:s4] =	dma.local [hbm:s3], $0xF7A  }
0x26: {  	[smem:$0x3F9B] =	sst s1;
	(tag) =	ssettag s2;
	_ =	strace s9  }
0x27: {  	s1 =	sld [smem:$0x3FAB]  }
0x28: {  	s2 =	sld [smem:$0x3FAC]  }
0x29: {  	s4 =	sld [smem:$0x3FAE]  }
0x2a: {  	p0 =	seq.s32 s5, $0x0;
	s5 =	sld [smem:$0x3FAF]  }
0x2b: {  	s6 =	sld [smem:$0x3FB0]  }
0x2c: {  	s7 =	sld [smem:$0x3FB1]  }
0x2d: {  	s3 =	simm.s32 $0x108;
	s8 =	sld [smem:$0x3FB2]  }
0x2e: {  	s3 =	simm.s32 @!p0 $0x1082;
	s9 =	sld [smem:$0x3FB3]  }
0x2f: {  	lr =	sadd.s32 s0, s3;
	s0 =	sld [smem:$0x3FAA]  }
0x30: {  	s3 =	sld [smem:$0x3FAD]  }
0x31: {  	[smem:$0x3FB6] =	sst s10  }
0x32: {  	s10 =	sld [smem:$0x3FB4];
	_ =	sdelay $0x3  }
0x33: {  	p0 =	seq.s32 s10, $0x1;
	s10 =	sld [smem:$0x3FB6];
	_ =	sdelay $0x3  }
0x34: {  	[smem:$0x3FB6] =	sst s10  }
0x35: {  	s10 =	sld [smem:$0x3FB5];
	_ =	sdelay $0x3  }
0x36: {  	p1 =	seq.s32 s10, $0x1;
	s10 =	sld [smem:$0x3FB6];
	_ =	sdelay $0x3  }
0x37: {  	[smem:$0x3FB6] =	sst s10  }
0x38: {  	s10 =	sld [smem:$0x3FB7]  }
0x39: {  	_ = 	snop;
	(pc) =	sbr.ind lr, $3  }
0x3a: {  	_ = 	snop  }
0x3b: {  	_ = 	snop  }
0x3c: {  	p2 =	seq.s32 s10, $0x1;
	s10 =	sld [smem:$0x3FB6]  }
0x3d: {  	_ =	shalt  }
0x3e: {  	_ =	shalt  }
0x3f: {  	_ =	shalt  }
0x40: {  	_ =	shalt  }
0x41: {  	_ =	shalt  }
0x42: {  	_ =	shalt  }
0x43: {  	_ =	shalt  }
0x44: {  	_ =	shalt  }
0x45: {  	_ =	shalt  }
0x46: {  	_ =	shalt  }
0x47: {  	_ =	shalt  }
0x48: {  	_ =	shalt  }
0x49: {  	_ =	shalt  }
0x4a: {  	_ =	shalt  }
0x4b: {  	_ =	shalt  }
0x4c: {  	_ =	shalt  }
0x4d: {  	_ =	shalt  }
0x4e: {  	_ =	shalt  }
0x4f: {  	_ =	shalt  }
0x50: {  	_ =	shalt  }
0x51: {  	_ =	shalt  }
0x52: {  	_ =	shalt  }
0x53: {  	_ =	shalt  }
0x54: {  	_ =	shalt  }
0x55: {  	_ =	shalt  }
0x56: {  	_ =	shalt  }
0x57: {  	_ =	shalt  }
0x58: {  	_ =	shalt  }
0x59: {  	_ =	shalt  }
0x5a: {  	_ =	shalt  }
0x5b: {  	_ =	shalt  }
0x5c: {  	_ =	shalt  }
0x5d: {  	_ =	shalt  }
0x5e: {  	_ =	shalt  }
0x5f: {  	_ =	shalt  }
0x60: {  	_ =	shalt  }
0x61: {  	_ =	shalt  }
0x62: {  	_ =	shalt  }
0x63: {  	_ =	shalt  }
0x64: {  	_ =	shalt  }
0x65: {  	_ =	shalt  }
0x66: {  	_ =	shalt  }
0x67: {  	_ =	shalt  }
0x68: {  	_ =	shalt  }
0x69: {  	_ =	shalt  }
0x6a: {  	_ =	shalt  }
0x6b: {  	_ =	shalt  }
0x6c: {  	_ =	shalt  }
0x6d: {  	_ =	shalt  }
0x6e: {  	_ =	shalt  }
0x6f: {  	_ =	shalt  }
0x70: {  	_ =	shalt  }
0x71: {  	_ =	shalt  }
0x72: {  	_ =	shalt  }
0x73: {  	_ =	shalt  }
0x74: {  	_ =	shalt  }
0x75: {  	_ =	shalt  }
0x76: {  	_ =	shalt  }
0x77: {  	_ =	shalt  }
0x78: {  	_ =	shalt  }
0x79: {  	_ =	shalt  }
0x7a: {  	_ =	shalt  }
0x7b: {  	_ =	shalt  }
0x7c: {  	_ =	shalt  }
0x7d: {  	_ =	shalt  }
0x7e: {  	_ =	shalt  }
0x7f: {  	_ =	shalt  }
0x80: {  	_ =	shalt  }
0x81: {  	_ =	shalt  }
0x82: {  	_ =	shalt  }
0x83: {  	_ =	shalt  }
0x84: {  	_ =	shalt  }
0x85: {  	_ =	shalt  }
0x86: {  	_ =	shalt  }
0x87: {  	_ =	shalt  }
.Lfunc_end0:
.L_simem_size_0:
called_computation.1_lowered:
.L_overlay_start_0:
0x88: {  	s2 =	sld [smem:$0x3FD9]  }
0x89: {  	s3 =	sld [smem:$0x3FFE];
	_ =	sdelay $0x1  }
0x8a: {  	s1 =	srdreg.scid  }
0x8b: {  	s0 =	sand.u32 $0x1, s1  }
0x8c: {  	s17 =	sshll.u32 s0, $0xA;
	s2 =	sadd.s32 s3, s2  }
0x8d: {  	s2 =	sadd.s32 s2, s17  }
0x8e: {  	[smem:$0x3FC2] =	sst s2  }
0x8f: {  	_ = 	snop  }
0x90: {  	s2 =	sld [smem:$0x3FD0];
	(tm) =	ssettm $0x1  }
0x91: {  	s18 =	sld [smem:$0x3FFB];
	_ =	sdelay $0x3  }
0x92: {  	_ =	strace s18  }
0x93: {  	s3 =	sld [smem:$0x3FFC];
	_ =	sdelay $0x3  }
0x94: {  	_ =	strace s3  }
0x95: {  	s3 =	sld [smem:$0x3FFD];
	_ =	sdelay $0x3  }
0x96: {  	_ =	strace s3  }
0x97: {  	_ =	strace $0x8FFFFFFF  }
0x98: {  	s19 =	sld [smem:$0x3FDB];
	_ =	sdelay $0x1  }
0x99: {  	s4 =	simm.s32 $_scs_section_size  }
0x9a: {  	s5 =	simm.s32 $_size__tile_overlayer_lowered;
	s6 =	simm.s32 $_tile_overlayer_lowered  }
0x9b: {  	s22 =	simm.s32 $0x1BFF;
	s21 =	sshll.u32 s6, $0x1;
	s3 =	sadd.s32 s4, s19  }
0x9c: {  	s7 =	simm.s32 $0x0;
	s20 =	sshll.u32 s5, $0x1;
	s5 =	sadd.s32 s21, s3  }
0x9d: {  	[timem:s7], [sflag:s22] =	dma.local [hbm:s5], s20  }
0x9e: {  	_ =	swait.ge [sflag:s22], s20  }
0x9f: {  	s4 =	ssub.s32 $0x0, s20;
	[sflag:s22] =	ssyncset.done $0x0  }
0xa0: {  	[sflag:s22] =	ssyncadd.s32 s4;
	_ =	sdelay $0x1  }
0xa1: {  	s23 =	simm.s32 $0x1B8B  }
0xa2: {  	_ =	swait.ge [sflag:s23], $0x1  }
0xa3: {  	[sflag:s23] =	ssyncset.done $0x0  }
0xa4: {  	s25 =	simm.s32 $0x1B8E;
	s24 =	sld [smem:$0x3FFE];
	[sflag:s23] =	ssyncadd.s32 $0xFFFFFFFF  }
0xa5: {  	s26 =	simm.s32 $execute0_lowered;
	[smem:$0x3FD2] =	sst s25  }
0xa6: {  	s5 =	sshll.u32 s26, $0x1;
	_ =	strace $0x80000049;
	[dreg:$0x1] =	wrdreg $0xFFFFFFFF  }
0xa7: {  	s28 =	simm.s32 $_size_execute0_lowered;
	s3 =	sadd.s32 s3, s5;
	[dreg:$0x0] =	wrdreg $0x0  }
0xa8: {  	s5 =	sshll.u32 s28, $0x1;
	[dreg:$0x2] =	wrdreg s3  }
0xa9: {  	[dreg:$0x3] =	wrdreg s5  }
0xaa: {  	[dreg:$0x4] =	wrdreg $0xC0  }
0xab: {  	_ =	task [dreg:s7], $0x5FFFF  }
0xac: {  	[dreg:$0x1] =	wrdreg $0xFFFFFFFF  }
0xad: {  	[dreg:$0x0] =	wrdreg $0x60  }
0xae: {  	[dreg:$0x2] =	wrdreg s24  }
0xaf: {  	[dreg:$0x3] =	wrdreg s2  }
0xb0: {  	[dreg:$0x4] =	wrdreg $0x78800  }
0xb1: {  	[dreg:$0x5] =	wrdreg $0x9  }
0xb2: {  	_ =	task.clear_ibuf [dreg:s7], $0x6FFFF;
	_ =	strace $0x90000049  }
0xb3: {  	s29 =	simm.s32 $0x9;
	_ =	strace $0x8000004B  }
0xb4: {  	_ =	swait.ge [sflag:s29], $0x1  }
0xb5: {  	[sflag:s29] =	ssyncadd.s32 $0xFFFFFFFF  }
0xb6: {  	_ =	strace $0x9000004B  }
0xb7: {  	_ =	sfence  }
0xb8: {  	s30 =	sld [smem:$0x0];
	_ =	sdelay $0x2  }
0xb9: {  	s31 =	sshll.u32 s1, $0xD;
	s1 =	sshrl.u32 s1, $0x2  }
0xba: {  	s3 =	sand.u32 $0x4000, s31;
	s1 =	sadd.s32 s1, s30  }
0xbb: {  	s0 =	sor.u32 s3, s0;
	s1 =	sshll.u32 s1, $0x11  }
0xbc: {  	s0 =	sor.u32 s1, s0  }
0xbd: {  	s0 =	sadd.s32 $0x8F2B, s0  }
0xbe: {  	[sflag:s0] =	ssyncadd.remote.s32 $0x1  }
0xbf: {  	_ =	sfence.sel $0xFFFF  }
0xc0: {  	[dreg:$0x0] =	wrdreg $0xFFFFFFFF;
	(pc) =	sbr.abs _section_cstart, $3  }
0xc1: {  	[dreg:$0x1] =	wrdreg $0xFFFFFFFF  }
0xc2: {  	_ =	task.clear_ibuf [dreg:s7], $0x2FFFF;
	_ =	strace $0x9FFFFFFF  }
0xc3: {  	(tm) =	ssettm $0x7FFFFFFF  }
tec
execute0_lowered:
.L_overlay_start_1:
0x0: {  	(tag) =	ssettag $0x1  }
0x1: {  	s0 =	rddreg [dreg:$0x0]  }
0x2: {  	s1 =	rddreg [dreg:$0x1]  }
0x3: {  	s2 =	rddreg [dreg:$0x2];
	s13 =	stileid.u32  }
0x4: {  	s4 =	srdreg.scid;
	s3 =	simm.s32 $0x0;
	s17 =	simm.s32 $0x5  }
0x5: {  	s18 =	simm.s32 $0x2780;
	s19 =	simm.s32 $0x2800;
	s6 =	smul.u32 $0x2800, s13  }
0x6: {  	s29 =	simm.s32 $0x0;
	s7 =	sand.u32 $0x1, s4;
	s11 =	smul.u32 $0x50000, s13  }
0x7: {  	[smem:$0x7FF] =	sst s3;
	s4 =	sadd.s32 $0x45200, s0;
	s25 =	smul.u32 $0x2710, s13  }
0x8: {  	s5 =	sadd.s32 $0x3400, s0;
	s24 =	sshll.u32 s13, $0x6;
	s8 =	smul.u32 $0x28000, s7  }
0x9: {  	_ =	strace $0x8000004A;
	s20 =	sshll.u32 s7, $0x4;
	s10 =	ssub.s32 $0x2, s7  }
0xa: {  	s23 =	smul.u32 $0x27100, s7;
	s7 =	sor.u32 $0x1C05, s24;
	s24 =	simm.s32 $0x3  }
0xb: {  	s9 =	sadd.s32 s6, s0;
	s21 =	sshrl.u32 s10, $0x1;
	s22 =	sshrl.u32 s11, $0x2  }
0xc: {  	s6 =	sadd.s32 s6, s8;
	s8 =	sor.u32 s13, s20;
	s12 =	ssub.s32 s10, s21  }
0xd: {  	s16 =	sadd.s32 s22, s2;
	s26 =	sadd.s32 $0x1D200, s9;
	s30 =	sadd.s32 s25, s23  }
0xe: {  	s20 =	simm.s32 $0x50;
	s21 =	simm.s32 $0x2880;
	s22 =	simm.s32 $0x5080  }
0xf: {  	s23 =	simm.s32 $0x1;
	s25 =	simm.s32 $0x2;
	s0 =	sadd.s32 s6, s0  }
0x10: {  	s8 =	smul.u32 $0x2710, s8;
	[dreg:$0x4] =	wrdreg s26;
	s31 =	sadd.s32 $0xF0, s30  }
0x11: {  	s12 =	smax.u32 s12, $0x1;
	s15 =	sadd.s32 $0xA0, s30;
	s16 =	sshrl.u32 s16, $0x3  }
0x12: {  	s11 =	sadd.s32 $0x95200, s0;
	s0 =	sshrl.u32 s31, $0x3;
	s28 =	sshrl.u32 s8, $0x3  }
0x13: {  	s26 =	simm.s32 $0x4;
	s14 =	sadd.s32 s0, s5;
	s9 =	sadd.s32 s5, s28  }
0x14: {  	s8 =	sadd.s32 s1, s28;
	s10 =	sadd.s32 $0xA, s9;
	s13 =	sadd.s32 $0x4D8, s9  }
.LBB2_1:
0x15: {  	s0 =	rddreg [dreg:$0x4]  }
0x16: {  	[spmem:s16], [sflag:s7] =	dma.local [hbm:s0], $0x2800  }
0x17: {  	_ =	swait.ge [sflag:s17], $0x2800  }
0x18: {  	[sflag:s17] =	ssyncset.done $0x0  }
0x19: {  	[sflag:s17] =	ssyncadd.s32 $0xFFFFD800  }
0x1a: {  	[tilespmem:s3], [sflag:$0x5] =	stream.linear.gather [hbm4b:s8+s3], $0x2710, $0x38;
	[tilespmem:$0x1B880] =	vst v63  }
0x1b: {  	_ =	swait.ge [sflag:s17], $0x2710  }
0x1c: {  	[sflag:s17] =	ssyncset.done $0x0  }
0x1d: {  	[sflag:s17] =	ssyncadd.s32 $0xFFFFD8F0  }
0x1e: {  	[tilespmem:s18], [sflag:$0x3] =	stream.linear.gather [hbm4b:s9+s3], $0x50, $0x38;
	[tilespmem:$0x1B880] =	vst v63  }
0x1f: {  	_ = 	snop  }
0x20: {  	[tilespmem:s19], [sflag:$0x4] =	stream.linear.gather [hbm4b:s10+s3], $0x50, $0x38;
	[tilespmem:$0x1B880] =	vst v63  }
0x21: {  	_ = 	snop  }
0x22: {  	[tilespmem:s21], [sflag:$0x1] =	stream.indirect.gather [hbm4b:s4+s20], $0x80, s3, s20, $0xb8;
	[tilespmem:$0x1B880] =	vst v63  }
0x23: {  	_ = 	snop  }
0x24: {  	[tilespmem:s22], [sflag:$0x2] =	stream.indirect.gather [hbm4b:s4+s20], $0x80, s20, s20, $0xb8;
	[tilespmem:$0x1B880] =	vst v63  }
0x25: {  	[bflag:$0x0] =	sbarrier.arrive $0xFFFF  }
0x26: {  	_ =	swait.ge [sflag:s23], $0x2800  }
0x27: {  	[sflag:s23] =	ssyncset.done $0x0  }
0x28: {  	[sflag:s23] =	ssyncadd.s32 $0xFFFFD800  }
0x29: {  	_ =	swait.ge [sflag:s24], $0x50  }
0x2a: {  	[sflag:s24] =	ssyncset.done $0x0  }
0x2b: {  	[sflag:s24] =	ssyncadd.s32 $0xFFFFFFB0  }
0x2c: {  	[spmem:s2] =	stream.indirect.scatter.add.f32 [tilespmem:s21], [sflag:$0x5], $0x80, s18, s20, $0xb8;
	[tilespmem:$0x1B880] =	vst v63  }
0x2d: {  	_ =	swait.ge [sflag:s17], $0x2800  }
0x2e: {  	s1 =	sshrl.u32 s15, $0x3;
	[sflag:s17] =	ssyncset.done $0x0  }
0x2f: {  	s0 =	sadd.s32 s5, s1;
	[sflag:s17] =	ssyncadd.s32 $0xFFFFD800  }
0x30: {  	[tilespmem:s18], [sflag:$0x3] =	stream.linear.gather [hbm4b:s0+s3], $0x50, $0x38;
	[tilespmem:$0x1B880] =	vst v63  }
0x31: {  	s6 =	simm.s32 $0xA0  }
0x32: {  	[tilespmem:s21], [sflag:$0x1] =	stream.indirect.gather [hbm4b:s4+s20], $0x80, s6, s20, $0xb8;
	[tilespmem:$0x1B880] =	vst v63  }
0x33: {  	_ =	swait.ge [sflag:s25], $0x2800  }
0x34: {  	[sflag:s25] =	ssyncset.done $0x0  }
0x35: {  	[sflag:s25] =	ssyncadd.s32 $0xFFFFD800  }
0x36: {  	_ =	swait.ge [sflag:s26], $0x50  }
0x37: {  	[sflag:s26] =	ssyncset.done $0x0  }
0x38: {  	[sflag:s26] =	ssyncadd.s32 $0xFFFFFFB0  }
0x39: {  	[spmem:s2] =	stream.indirect.scatter.add.f32 [tilespmem:s22], [sflag:$0x5], $0x80, s19, s20, $0xb8;
	[tilespmem:$0x1B880] =	vst v63  }
0x3a: {  	s28 =	sadd.s32 $0x0, s14;
	_ =	swait.ge [sflag:s17], $0x2800  }
0x3b: {  	s30 =	simm.s32 $0xF0;
	s31 =	simm.s32 $0x14;
	[sflag:s17] =	ssyncset.done $0x0  }
0x3c: {  	s1 =	sadd.s32 $0xA0, s15;
	s0 =	simm.s32 $0x190;
	[sflag:s17] =	ssyncadd.s32 $0xFFFFD800  }
0x3d: {  	[tilespmem:s19], [sflag:$0x4] =	stream.linear.gather [hbm4b:s28+s3], $0x50, $0x38;
	[tilespmem:$0x1B880] =	vst v63  }
.LBB2_2:
0x3e: {  	[tilespmem:s22], [sflag:$0x2] =	stream.indirect.gather [hbm4b:s4+s20], $0x80, s30, s20, $0xb8;
	[tilespmem:$0x1B880] =	vst v63  }
0x3f: {  	s28 =	smov.u32 s31;
	s30 =	smov.u32 s0  }
0x40: {  	p0 =	sne.s32 s31, $0x4B0;
	s31 =	sadd.s32 $0x14, s31;
	_ =	swait.ge [sflag:s23], $0x2800  }
0x41: {  	[sflag:s23] =	ssyncset.done $0x0  }
0x42: {  	[sflag:s23] =	ssyncadd.s32 $0xFFFFD800  }
0x43: {  	_ =	swait.ge [sflag:s24], $0x50  }
0x44: {  	[sflag:s24] =	ssyncset.done $0x0  }
0x45: {  	[sflag:s24] =	ssyncadd.s32 $0xFFFFFFB0  }
0x46: {  	[spmem:s2] =	stream.indirect.scatter.add.f32 [tilespmem:s21], [sflag:$0x5], $0x80, s18, s20, $0xb8;
	[tilespmem:$0x1B880] =	vst v63  }
0x47: {  	_ =	swait.ge [sflag:s17], $0x2800  }
0x48: {  	s6 =	sshrl.u32 s1, $0x3;
	[sflag:s17] =	ssyncset.done $0x0  }
0x49: {  	s6 =	sadd.s32 s5, s6;
	[sflag:s17] =	ssyncadd.s32 $0xFFFFD800  }
0x4a: {  	[tilespmem:s18], [sflag:$0x3] =	stream.linear.gather [hbm4b:s6+s3], $0x50, $0x38;
	[tilespmem:$0x1B880] =	vst v63  }
0x4b: {  	s6 =	sadd.s32 $0xFFFFFFB0, s0  }
0x4c: {  	[tilespmem:s21], [sflag:$0x1] =	stream.indirect.gather [hbm4b:s4+s20], $0x80, s6, s20, $0xb8;
	[tilespmem:$0x1B880] =	vst v63  }
0x4d: {  	_ =	swait.ge [sflag:s25], $0x2800  }
0x4e: {  	[sflag:s25] =	ssyncset.done $0x0  }
0x4f: {  	[sflag:s25] =	ssyncadd.s32 $0xFFFFD800  }
0x50: {  	_ =	swait.ge [sflag:s26], $0x50  }
0x51: {  	[sflag:s26] =	ssyncset.done $0x0  }
0x52: {  	[sflag:s26] =	ssyncadd.s32 $0xFFFFFFB0  }
0x53: {  	[spmem:s2] =	stream.indirect.scatter.add.f32 [tilespmem:s22], [sflag:$0x5], $0x80, s19, s20, $0xb8;
	[tilespmem:$0x1B880] =	vst v63  }
.Ltmp0:
0x54: {  	_ =	swait.ge [sflag:s17], $0x2800;
	(pc) =	sbr.rel @p0 .LBB2_2-.Ltmp0, $4  }
0x55: {  	[sflag:s17] =	ssyncset.done $0x0  }
0x56: {  	s6 =	sadd.s32 s28, s14;
	[sflag:s17] =	ssyncadd.s32 $0xFFFFD800  }
0x57: {  	[tilespmem:s19], [sflag:$0x4] =	stream.linear.gather [hbm4b:s6+s3], $0x50, $0x38;
	[tilespmem:$0x1B880] =	vst v63  }
0x58: {  	s1 =	sadd.s32 $0xA0, s1;
	s0 =	sadd.s32 $0xA0, s0  }
0x59: {  	[tilespmem:s22], [sflag:$0x2] =	stream.indirect.gather [hbm4b:s4+s20], $0x80, s30, s20, $0xb8;
	[tilespmem:$0x1B880] =	vst v63  }
0x5a: {  	_ =	swait.ge [sflag:s23], $0x2800  }
0x5b: {  	[sflag:s23] =	ssyncset.done $0x0  }
0x5c: {  	[sflag:s23] =	ssyncadd.s32 $0xFFFFD800  }
0x5d: {  	_ =	swait.ge [sflag:s24], $0x50  }
0x5e: {  	[sflag:s24] =	ssyncset.done $0x0  }
0x5f: {  	[sflag:s24] =	ssyncadd.s32 $0xFFFFFFB0  }
0x60: {  	[spmem:s2] =	stream.indirect.scatter.add.f32 [tilespmem:s21], [sflag:$0x5], $0x80, s18, s20, $0xb8;
	[tilespmem:$0x1B880] =	vst v63  }
0x61: {  	_ =	swait.ge [sflag:s17], $0x2800  }
0x62: {  	[sflag:s17] =	ssyncset.done $0x0  }
0x63: {  	[sflag:s17] =	ssyncadd.s32 $0xFFFFD800  }
0x64: {  	[tilespmem:s18], [sflag:$0x3] =	stream.linear.gather [hbm4b:s13+s3], $0x50, $0x38;
	[tilespmem:$0x1B880] =	vst v63  }
0x65: {  	s0 =	simm.s32 $0x26C0  }
0x66: {  	[tilespmem:s21], [sflag:$0x1] =	stream.indirect.gather [hbm4b:s4+s20], $0x80, s0, s20, $0xb8;
	[tilespmem:$0x1B880] =	vst v63  }
0x67: {  	_ =	swait.ge [sflag:s25], $0x2800  }
0x68: {  	[sflag:s25] =	ssyncset.done $0x0  }
0x69: {  	[sflag:s25] =	ssyncadd.s32 $0xFFFFD800  }
0x6a: {  	_ =	swait.ge [sflag:s26], $0x50  }
0x6b: {  	[sflag:s26] =	ssyncset.done $0x0  }
0x6c: {  	[sflag:s26] =	ssyncadd.s32 $0xFFFFFFB0  }
0x6d: {  	[spmem:s2] =	stream.indirect.scatter.add.f32 [tilespmem:s22], [sflag:$0x5], $0x80, s19, s20, $0xb8;
	[tilespmem:$0x1B880] =	vst v63  }
0x6e: {  	_ =	swait.ge [sflag:s17], $0x2800  }
0x6f: {  	[sflag:s17] =	ssyncset.done $0x0  }
0x70: {  	[sflag:s17] =	ssyncadd.s32 $0xFFFFD800  }
0x71: {  	_ =	swait.ge [sflag:s23], $0x2800  }
0x72: {  	[sflag:s23] =	ssyncset.done $0x0  }
0x73: {  	[sflag:s23] =	ssyncadd.s32 $0xFFFFD800  }
0x74: {  	_ =	swait.ge [sflag:s24], $0x50  }
0x75: {  	[sflag:s24] =	ssyncset.done $0x0  }
0x76: {  	[sflag:s24] =	ssyncadd.s32 $0xFFFFFFB0  }
0x77: {  	[spmem:s2] =	stream.indirect.scatter.add.f32 [tilespmem:s21], [sflag:$0x5], $0x80, s18, s20, $0xb8;
	[tilespmem:$0x1B880] =	vst v63  }
0x78: {  	_ =	swait.ge [sflag:s17], $0x2800  }
0x79: {  	s29 =	sadd.s32 $0x1, s29;
	[sflag:s17] =	ssyncset.done $0x0  }
0x7a: {  	p0 =	sne.s32 s29, s12;
	[sflag:s17] =	ssyncadd.s32 $0xFFFFD800  }
.Ltmp1:
0x7b: {  	[bflag:$0x0] =	sbarrier.arrive $0xFFFF;
	(pc) =	sbr.rel @p0 .LBB2_1-.Ltmp1, $4  }
0x7c: {  	[hbm:s11], [sflag:s7] =	dma.local [spmem:s16], $0x2800  }
0x7d: {  	_ =	swait.ge [sflag:s17], $0x2800  }
0x7e: {  	[sflag:s17] =	ssyncset.done $0x0  }
0x7f: {  	[sflag:s17] =	ssyncadd.s32 $0xFFFFD800  }
0x80: {  	_ =	sfence.sel $0x180000  }
0x81: {  	[bflag:$0x0] =	sbarrier.arrive $0xFFFF  }
0x82: {  	_ =	strace $0x9000004A  }
0x83: {  	s0 =	stileid.u32;
	[bflag:$0x2] =	sbarrier.arrive $0xFFFF  }
0x84: {  	p0 =	sne.s32 s0, $0x0;
	s0 =	rddreg [dreg:$0x3]  }
0x85: {  	s0 =	sadd.s32 @!p0 $0x100000, s0  }
0x86: {  	[sflag:s0] =	ssyncadd.tile.s32 @!p0 $0x1;
	_ =	shalt  }
.Lfunc_end2:
_tile_overlayer_lowered:
.L_overlay_start_2:
0x87: {  	(tag) =	ssettag $0x2  }
0x88: {  	s0 =	rddreg [dreg:$0x0];
	s2 =	stileid.u32  }
0x89: {  	s1 =	rddreg [dreg:$0x1];
	p0 =	sne.s32 s2, $0x0  }
0x8a: {  	s3 =	rddreg [dreg:$0x2];
	[bflag:$0x3] =	sbarrier.arrive $0xFFFF;
	s2 =	simm.s32 @!p0 $0x1C05  }
0x8b: {  	[timem:s3], [sflag:s2] =	dma.local @!p0 [hbm:s0], s1  }
0x8c: {  	s0 =	simm.s32 @!p0 $0x5  }
0x8d: {  	_ =	swait.ge @!p0 [sflag:s0], s1  }
0x8e: {  	s1 =	ssub.s32 @!p0 $0x0, s1;
	[sflag:s0] =	ssyncset.done @!p0 $0x0  }
0x8f: {  	[sflag:s0] =	ssyncadd.s32 @!p0 s1  }
0x90: {  	[bflag:$0x3] =	sbarrier.arrive $0xFFFF  }
0x91: {  	_ =	shalt  }

// kernel: kernel.14.cloned.1.call-start
scs
__scs_entry_jumppad:
0x0: {  	(pc) =	sbr.rel $0x88, $3  }
0x1: {  	(tag) =	ssettag $0x0;
	lr =	simm.s32 $0x1  }
0x2: {  	[smem:$0x3F9B] =	sst lr;
	_ =	strace $0xD0000000  }
0x3: {  	_ = 	snop  }
0x4: {  	_ = 	snop  }
0x5: {  	_ = 	snop  }
0x6: {  	_ = 	snop  }
0x7: {  	_ = 	snop  }
__scs_overlays_trampoline_lowered:
0x8: {  	[smem:$0x3FAA] =	sst s0  }
0x9: {  	[smem:$0x3FAB] =	sst s1  }
0xa: {  	[smem:$0x3FAC] =	sst s2  }
0xb: {  	[smem:$0x3FAD] =	sst s3  }
0xc: {  	[smem:$0x3FAE] =	sst s4  }
0xd: {  	[smem:$0x3FAF] =	sst s5  }
0xe: {  	[smem:$0x3FB0] =	sst s6  }
0xf: {  	[smem:$0x3FB1] =	sst s7  }
0x10: {  	[smem:$0x3FB2] =	sst s8  }
0x11: {  	[smem:$0x3FB3] =	sst s9;
	s0 =	simm.s32 @!p0 $0x0  }
0x12: {  	s1 =	sld [smem:$0x3F99];
	s0 =	simm.s32 @p0 $0x1  }
0x13: {  	[smem:$0x3FB4] =	sst s0;
	s0 =	simm.s32 @!p1 $0x0  }
0x14: {  	s2 =	sld [smem:$0x3F98];
	s0 =	simm.s32 @p1 $0x1  }
0x15: {  	[smem:$0x3FB5] =	sst s0;
	s0 =	simm.s32 @!p2 $0x0  }
0x16: {  	s3 =	sld [smem:$0x3FDB];
	s0 =	simm.s32 @p2 $0x1  }
0x17: {  	s4 =	simm.s32 $0x1BF5;
	[smem:$0x3FB7] =	sst s0  }
0x18: {  	s0 =	sld [smem:$0x3F9A];
	_ =	swait.ge [sflag:s4], $0x0  }
0x19: {  	s7 =	sld [smem:$0x3F9B]  }
0x1a: {  	s8 =	sadd.s32 $0xFFFFE003, lr  }
0x1b: {  	s9 =	sadd.s32 $0xFFFFFEF7, lr;
	s5 =	simm.s32 $0xFFFFFFFF;
	p2 =	slt.u32 s8, $0xFFFFF086  }
0x1c: {  	p1 =	slt.u32 s9, $0xF7A;
	s5 =	simm.s32 @!p2 $0x0  }
0x1d: {  	s5 =	simm.s32 @p1 $0x1;
	p0 =	seq.s32 s7, s2  }
0x1e: {  	s7 =	smul.u32 @!p0 $0xF7A, s2;
	p2 =	seq.s32 @!p0 s5, $0x0  }
0x1f: {  	s9 =	smul.u32 $0xF7A, s1;
	s8 =	simm.s32 @!p0 $0x1BF5;
	p2 =	por !p2, p0  }
0x20: {  	[sflag:s8] =	ssyncset.s32 @!p0 $0xFFFFF086;
	s6 =	sadd.s32 @!p0 s3, s7;
	s7 =	simm.s32 @!p0 $0x108  }
0x21: {  	s3 =	sadd.s32 s3, s9;
	s6 =	sadd.s32 @!p0 $0x88, s6;
	s7 =	simm.s32 @p2 $0x1082  }
0x22: {  	[simem:s7], [sflag:s8] =	dma.local @!p0 [hbm:s6], $0xF7A  }
0x23: {  	s9 =	sor.u32 $0xD0000000, s2;
	s6 =	simm.s32 $0x108;
	_ =	swait.ge @!p0 [sflag:s8], $0x0  }
0x24: {  	s3 =	sadd.s32 $0x88, s3;
	s6 =	simm.s32 @!p1 $0x1082;
	[sflag:s4] =	ssyncset.s32 $0xFFFFF086  }
0x25: {  	[simem:s6], [sflag:s4] =	dma.local [hbm:s3], $0xF7A  }
0x26: {  	[smem:$0x3F9B] =	sst s1;
	(tag) =	ssettag s2;
	_ =	strace s9  }
0x27: {  	s1 =	sld [smem:$0x3FAB]  }
0x28: {  	s2 =	sld [smem:$0x3FAC]  }
0x29: {  	s4 =	sld [smem:$0x3FAE]  }
0x2a: {  	p0 =	seq.s32 s5, $0x0;
	s5 =	sld [smem:$0x3FAF]  }
0x2b: {  	s6 =	sld [smem:$0x3FB0]  }
0x2c: {  	s7 =	sld [smem:$0x3FB1]  }
0x2d: {  	s3 =	simm.s32 $0x108;
	s8 =	sld [smem:$0x3FB2]  }
0x2e: {  	s3 =	simm.s32 @!p0 $0x1082;
	s9 =	sld [smem:$0x3FB3]  }
0x2f: {  	lr =	sadd.s32 s0, s3;
	s0 =	sld [smem:$0x3FAA]  }
0x30: {  	s3 =	sld [smem:$0x3FAD]  }
0x31: {  	[smem:$0x3FB6] =	sst s10  }
0x32: {  	s10 =	sld [smem:$0x3FB4];
	_ =	sdelay $0x3  }
0x33: {  	p0 =	seq.s32 s10, $0x1;
	s10 =	sld [smem:$0x3FB6];
	_ =	sdelay $0x3  }
0x34: {  	[smem:$0x3FB6] =	sst s10  }
0x35: {  	s10 =	sld [smem:$0x3FB5];
	_ =	sdelay $0x3  }
0x36: {  	p1 =	seq.s32 s10, $0x1;
	s10 =	sld [smem:$0x3FB6];
	_ =	sdelay $0x3  }
0x37: {  	[smem:$0x3FB6] =	sst s10  }
0x38: {  	s10 =	sld [smem:$0x3FB7]  }
0x39: {  	_ = 	snop;
	(pc) =	sbr.ind lr, $3  }
0x3a: {  	_ = 	snop  }
0x3b: {  	_ = 	snop  }
0x3c: {  	p2 =	seq.s32 s10, $0x1;
	s10 =	sld [smem:$0x3FB6]  }
0x3d: {  	_ =	shalt  }
0x3e: {  	_ =	shalt  }
0x3f: {  	_ =	shalt  }
0x40: {  	_ =	shalt  }
0x41: {  	_ =	shalt  }
0x42: {  	_ =	shalt  }
0x43: {  	_ =	shalt  }
0x44: {  	_ =	shalt  }
0x45: {  	_ =	shalt  }
0x46: {  	_ =	shalt  }
0x47: {  	_ =	shalt  }
0x48: {  	_ =	shalt  }
0x49: {  	_ =	shalt  }
0x4a: {  	_ =	shalt  }
0x4b: {  	_ =	shalt  }
0x4c: {  	_ =	shalt  }
0x4d: {  	_ =	shalt  }
0x4e: {  	_ =	shalt  }
0x4f: {  	_ =	shalt  }
0x50: {  	_ =	shalt  }
0x51: {  	_ =	shalt  }
0x52: {  	_ =	shalt  }
0x53: {  	_ =	shalt  }
0x54: {  	_ =	shalt  }
0x55: {  	_ =	shalt  }
0x56: {  	_ =	shalt  }
0x57: {  	_ =	shalt  }
0x58: {  	_ =	shalt  }
0x59: {  	_ =	shalt  }
0x5a: {  	_ =	shalt  }
0x5b: {  	_ =	shalt  }
0x5c: {  	_ =	shalt  }
0x5d: {  	_ =	shalt  }
0x5e: {  	_ =	shalt  }
0x5f: {  	_ =	shalt  }
0x60: {  	_ =	shalt  }
0x61: {  	_ =	shalt  }
0x62: {  	_ =	shalt  }
0x63: {  	_ =	shalt  }
0x64: {  	_ =	shalt  }
0x65: {  	_ =	shalt  }
0x66: {  	_ =	shalt  }
0x67: {  	_ =	shalt  }
0x68: {  	_ =	shalt  }
0x69: {  	_ =	shalt  }
0x6a: {  	_ =	shalt  }
0x6b: {  	_ =	shalt  }
0x6c: {  	_ =	shalt  }
0x6d: {  	_ =	shalt  }
0x6e: {  	_ =	shalt  }
0x6f: {  	_ =	shalt  }
0x70: {  	_ =	shalt  }
0x71: {  	_ =	shalt  }
0x72: {  	_ =	shalt  }
0x73: {  	_ =	shalt  }
0x74: {  	_ =	shalt  }
0x75: {  	_ =	shalt  }
0x76: {  	_ =	shalt  }
0x77: {  	_ =	shalt  }
0x78: {  	_ =	shalt  }
0x79: {  	_ =	shalt  }
0x7a: {  	_ =	shalt  }
0x7b: {  	_ =	shalt  }
0x7c: {  	_ =	shalt  }
0x7d: {  	_ =	shalt  }
0x7e: {  	_ =	shalt  }
0x7f: {  	_ =	shalt  }
0x80: {  	_ =	shalt  }
0x81: {  	_ =	shalt  }
0x82: {  	_ =	shalt  }
0x83: {  	_ =	shalt  }
0x84: {  	_ =	shalt  }
0x85: {  	_ =	shalt  }
0x86: {  	_ =	shalt  }
0x87: {  	_ =	shalt  }
.Lfunc_end0:
.L_simem_size_0:
called_computation.2_lowered:
.L_overlay_start_0:
0x88: {  	s2 =	sld [smem:$0x3FD9]  }
0x89: {  	s3 =	sld [smem:$0x3FFE];
	_ =	sdelay $0x1  }
0x8a: {  	s1 =	srdreg.scid  }
0x8b: {  	s0 =	sand.u32 $0x1, s1  }
0x8c: {  	s17 =	sshll.u32 s0, $0xA;
	s2 =	sadd.s32 s3, s2  }
0x8d: {  	s2 =	sadd.s32 s2, s17  }
0x8e: {  	[smem:$0x3FC2] =	sst s2  }
0x8f: {  	_ = 	snop  }
0x90: {  	s2 =	sld [smem:$0x3FD0];
	(tm) =	ssettm $0x1  }
0x91: {  	s18 =	sld [smem:$0x3FFB];
	_ =	sdelay $0x3  }
0x92: {  	_ =	strace s18  }
0x93: {  	s3 =	sld [smem:$0x3FFC];
	_ =	sdelay $0x3  }
0x94: {  	_ =	strace s3  }
0x95: {  	s3 =	sld [smem:$0x3FFD];
	_ =	sdelay $0x3  }
0x96: {  	_ =	strace s3  }
0x97: {  	_ =	strace $0x8FFFFFFF  }
0x98: {  	s19 =	sld [smem:$0x3FDB];
	_ =	sdelay $0x1  }
0x99: {  	s4 =	simm.s32 $_scs_section_size  }
0x9a: {  	s5 =	simm.s32 $_size__tile_overlayer_lowered;
	s6 =	simm.s32 $_tile_overlayer_lowered  }
0x9b: {  	s22 =	simm.s32 $0x1BFF;
	s21 =	sshll.u32 s6, $0x1;
	s3 =	sadd.s32 s4, s19  }
0x9c: {  	s7 =	simm.s32 $0x0;
	s20 =	sshll.u32 s5, $0x1;
	s5 =	sadd.s32 s21, s3  }
0x9d: {  	[timem:s7], [sflag:s22] =	dma.local [hbm:s5], s20  }
0x9e: {  	_ =	swait.ge [sflag:s22], s20  }
0x9f: {  	s4 =	ssub.s32 $0x0, s20;
	[sflag:s22] =	ssyncset.done $0x0  }
0xa0: {  	[sflag:s22] =	ssyncadd.s32 s4;
	_ =	sdelay $0x1  }
0xa1: {  	s23 =	simm.s32 $0x1B8B  }
0xa2: {  	_ =	swait.ge [sflag:s23], $0x1  }
0xa3: {  	[sflag:s23] =	ssyncset.done $0x0  }
0xa4: {  	s25 =	simm.s32 $0x1B8E;
	s24 =	sld [smem:$0x3FFE];
	[sflag:s23] =	ssyncadd.s32 $0xFFFFFFFF  }
0xa5: {  	s26 =	simm.s32 $execute0_lowered;
	[smem:$0x3FD2] =	sst s25  }
0xa6: {  	s5 =	sshll.u32 s26, $0x1;
	_ =	strace $0x8000004C;
	[dreg:$0x1] =	wrdreg $0xFFFFFFFF  }
0xa7: {  	s28 =	simm.s32 $_size_execute0_lowered;
	s3 =	sadd.s32 s3, s5;
	[dreg:$0x0] =	wrdreg $0x0  }
0xa8: {  	s5 =	sshll.u32 s28, $0x1;
	[dreg:$0x2] =	wrdreg s3  }
0xa9: {  	[dreg:$0x3] =	wrdreg s5  }
0xaa: {  	[dreg:$0x4] =	wrdreg $0xC0  }
0xab: {  	_ =	task [dreg:s7], $0x5FFFF  }
0xac: {  	[dreg:$0x1] =	wrdreg $0xFFFFFFFF  }
0xad: {  	[dreg:$0x0] =	wrdreg $0x60  }
0xae: {  	[dreg:$0x2] =	wrdreg s24  }
0xaf: {  	[dreg:$0x3] =	wrdreg s2  }
0xb0: {  	[dreg:$0x4] =	wrdreg $0x78800  }
0xb1: {  	[dreg:$0x5] =	wrdreg $0x9  }
0xb2: {  	_ =	task.clear_ibuf [dreg:s7], $0x6FFFF;
	_ =	strace $0x9000004C  }
0xb3: {  	s29 =	simm.s32 $0x9;
	_ =	strace $0x8000004E  }
0xb4: {  	_ =	swait.ge [sflag:s29], $0x1  }
0xb5: {  	[sflag:s29] =	ssyncadd.s32 $0xFFFFFFFF  }
0xb6: {  	_ =	strace $0x9000004E  }
0xb7: {  	_ =	sfence  }
0xb8: {  	s30 =	sld [smem:$0x0];
	_ =	sdelay $0x2  }
0xb9: {  	s31 =	sshll.u32 s1, $0xD;
	s1 =	sshrl.u32 s1, $0x2  }
0xba: {  	s3 =	sand.u32 $0x4000, s31;
	s1 =	sadd.s32 s1, s30  }
0xbb: {  	s0 =	sor.u32 s3, s0;
	s1 =	sshll.u32 s1, $0x11  }
0xbc: {  	s0 =	sor.u32 s1, s0  }
0xbd: {  	s0 =	sadd.s32 $0x8F2B, s0  }
0xbe: {  	[sflag:s0] =	ssyncadd.remote.s32 $0x1  }
0xbf: {  	_ =	sfence.sel $0xFFFF  }
0xc0: {  	[dreg:$0x0] =	wrdreg $0xFFFFFFFF;
	(pc) =	sbr.abs _section_cstart, $3  }
0xc1: {  	[dreg:$0x1] =	wrdreg $0xFFFFFFFF  }
0xc2: {  	_ =	task.clear_ibuf [dreg:s7], $0x2FFFF;
	_ =	strace $0x9FFFFFFF  }
0xc3: {  	(tm) =	ssettm $0x7FFFFFFF  }
tec
execute0_lowered:
.L_overlay_start_1:
0x0: {  	(tag) =	ssettag $0x1  }
0x1: {  	s0 =	rddreg [dreg:$0x0]  }
0x2: {  	s1 =	rddreg [dreg:$0x1]  }
0x3: {  	s2 =	rddreg [dreg:$0x2];
	s13 =	stileid.u32  }
0x4: {  	s4 =	srdreg.scid;
	s3 =	simm.s32 $0x0;
	s17 =	simm.s32 $0x5  }
0x5: {  	s18 =	simm.s32 $0x2780;
	s19 =	simm.s32 $0x2800;
	s6 =	smul.u32 $0x2800, s13  }
0x6: {  	s29 =	simm.s32 $0x0;
	s7 =	sand.u32 $0x1, s4;
	s11 =	smul.u32 $0x50000, s13  }
0x7: {  	[smem:$0x7FF] =	sst s3;
	s4 =	sadd.s32 $0x45200, s0;
	s25 =	smul.u32 $0x2710, s13  }
0x8: {  	s5 =	sadd.s32 $0x3400, s0;
	s24 =	sshll.u32 s13, $0x6;
	s8 =	smul.u32 $0x28000, s7  }
0x9: {  	_ =	strace $0x8000004D;
	s20 =	sshll.u32 s7, $0x4;
	s10 =	ssub.s32 $0x2, s7  }
0xa: {  	s23 =	smul.u32 $0x27100, s7;
	s7 =	sor.u32 $0x1C05, s24;
	s24 =	simm.s32 $0x3  }
0xb: {  	s9 =	sadd.s32 s6, s0;
	s21 =	sshrl.u32 s10, $0x1;
	s22 =	sshrl.u32 s11, $0x2  }
0xc: {  	s6 =	sadd.s32 s6, s8;
	s8 =	sor.u32 s13, s20;
	s12 =	ssub.s32 s10, s21  }
0xd: {  	s16 =	sadd.s32 s22, s2;
	s26 =	sadd.s32 $0x1D200, s9;
	s30 =	sadd.s32 s25, s23  }
0xe: {  	s20 =	simm.s32 $0x50;
	s21 =	simm.s32 $0x2880;
	s22 =	simm.s32 $0x5080  }
0xf: {  	s23 =	simm.s32 $0x1;
	s25 =	simm.s32 $0x2;
	s0 =	sadd.s32 s6, s0  }
0x10: {  	s8 =	smul.u32 $0x2710, s8;
	[dreg:$0x4] =	wrdreg s26;
	s31 =	sadd.s32 $0xF0, s30  }
0x11: {  	s12 =	smax.u32 s12, $0x1;
	s15 =	sadd.s32 $0xA0, s30;
	s16 =	sshrl.u32 s16, $0x3  }
0x12: {  	s11 =	sadd.s32 $0x95200, s0;
	s0 =	sshrl.u32 s31, $0x3;
	s28 =	sshrl.u32 s8, $0x3  }
0x13: {  	s26 =	simm.s32 $0x4;
	s14 =	sadd.s32 s0, s5;
	s9 =	sadd.s32 s5, s28  }
0x14: {  	s8 =	sadd.s32 s1, s28;
	s10 =	sadd.s32 $0xA, s9;
	s13 =	sadd.s32 $0x4D8, s9  }
.LBB2_1:
0x15: {  	s0 =	rddreg [dreg:$0x4]  }
0x16: {  	[spmem:s16], [sflag:s7] =	dma.local [hbm:s0], $0x2800  }
0x17: {  	_ =	swait.ge [sflag:s17], $0x2800  }
0x18: {  	[sflag:s17] =	ssyncset.done $0x0  }
0x19: {  	[sflag:s17] =	ssyncadd.s32 $0xFFFFD800  }
0x1a: {  	[tilespmem:s3], [sflag:$0x5] =	stream.linear.gather [hbm4b:s8+s3], $0x2710, $0x38;
	[tilespmem:$0x1B880] =	vst v63  }
0x1b: {  	_ =	swait.ge [sflag:s17], $0x2710  }
0x1c: {  	[sflag:s17] =	ssyncset.done $0x0  }
0x1d: {  	[sflag:s17] =	ssyncadd.s32 $0xFFFFD8F0  }
0x1e: {  	[tilespmem:s18], [sflag:$0x3] =	stream.linear.gather [hbm4b:s9+s3], $0x50, $0x38;
	[tilespmem:$0x1B880] =	vst v63  }
0x1f: {  	_ = 	snop  }
0x20: {  	[tilespmem:s19], [sflag:$0x4] =	stream.linear.gather [hbm4b:s10+s3], $0x50, $0x38;
	[tilespmem:$0x1B880] =	vst v63  }
0x21: {  	_ = 	snop  }
0x22: {  	[tilespmem:s21], [sflag:$0x1] =	stream.indirect.gather [hbm4b:s4+s20], $0x80, s3, s20, $0xb8;
	[tilespmem:$0x1B880] =	vst v63  }
0x23: {  	_ = 	snop  }
0x24: {  	[tilespmem:s22], [sflag:$0x2] =	stream.indirect.gather [hbm4b:s4+s20], $0x80, s20, s20, $0xb8;
	[tilespmem:$0x1B880] =	vst v63  }
0x25: {  	[bflag:$0x0] =	sbarrier.arrive $0xFFFF  }
0x26: {  	_ =	swait.ge [sflag:s23], $0x2800  }
0x27: {  	[sflag:s23] =	ssyncset.done $0x0  }
0x28: {  	[sflag:s23] =	ssyncadd.s32 $0xFFFFD800  }
0x29: {  	_ =	swait.ge [sflag:s24], $0x50  }
0x2a: {  	[sflag:s24] =	ssyncset.done $0x0  }
0x2b: {  	[sflag:s24] =	ssyncadd.s32 $0xFFFFFFB0  }
0x2c: {  	[spmem:s2] =	stream.indirect.scatter.add.f32 [tilespmem:s21], [sflag:$0x5], $0x80, s18, s20, $0xb8;
	[tilespmem:$0x1B880] =	vst v63  }
0x2d: {  	_ =	swait.ge [sflag:s17], $0x2800  }
0x2e: {  	s1 =	sshrl.u32 s15, $0x3;
	[sflag:s17] =	ssyncset.done $0x0  }
0x2f: {  	s0 =	sadd.s32 s5, s1;
	[sflag:s17] =	ssyncadd.s32 $0xFFFFD800  }
0x30: {  	[tilespmem:s18], [sflag:$0x3] =	stream.linear.gather [hbm4b:s0+s3], $0x50, $0x38;
	[tilespmem:$0x1B880] =	vst v63  }
0x31: {  	s6 =	simm.s32 $0xA0  }
0x32: {  	[tilespmem:s21], [sflag:$0x1] =	stream.indirect.gather [hbm4b:s4+s20], $0x80, s6, s20, $0xb8;
	[tilespmem:$0x1B880] =	vst v63  }
0x33: {  	_ =	swait.ge [sflag:s25], $0x2800  }
0x34: {  	[sflag:s25] =	ssyncset.done $0x0  }
0x35: {  	[sflag:s25] =	ssyncadd.s32 $0xFFFFD800  }
0x36: {  	_ =	swait.ge [sflag:s26], $0x50  }
0x37: {  	[sflag:s26] =	ssyncset.done $0x0  }
0x38: {  	[sflag:s26] =	ssyncadd.s32 $0xFFFFFFB0  }
0x39: {  	[spmem:s2] =	stream.indirect.scatter.add.f32 [tilespmem:s22], [sflag:$0x5], $0x80, s19, s20, $0xb8;
	[tilespmem:$0x1B880] =	vst v63  }
0x3a: {  	s28 =	sadd.s32 $0x0, s14;
	_ =	swait.ge [sflag:s17], $0x2800  }
0x3b: {  	s30 =	simm.s32 $0xF0;
	s31 =	simm.s32 $0x14;
	[sflag:s17] =	ssyncset.done $0x0  }
0x3c: {  	s1 =	sadd.s32 $0xA0, s15;
	s0 =	simm.s32 $0x190;
	[sflag:s17] =	ssyncadd.s32 $0xFFFFD800  }
0x3d: {  	[tilespmem:s19], [sflag:$0x4] =	stream.linear.gather [hbm4b:s28+s3], $0x50, $0x38;
	[tilespmem:$0x1B880] =	vst v63  }
.LBB2_2:
0x3e: {  	[tilespmem:s22], [sflag:$0x2] =	stream.indirect.gather [hbm4b:s4+s20], $0x80, s30, s20, $0xb8;
	[tilespmem:$0x1B880] =	vst v63  }
0x3f: {  	s28 =	smov.u32 s31;
	s30 =	smov.u32 s0  }
0x40: {  	p0 =	sne.s32 s31, $0x4B0;
	s31 =	sadd.s32 $0x14, s31;
	_ =	swait.ge [sflag:s23], $0x2800  }
0x41: {  	[sflag:s23] =	ssyncset.done $0x0  }
0x42: {  	[sflag:s23] =	ssyncadd.s32 $0xFFFFD800  }
0x43: {  	_ =	swait.ge [sflag:s24], $0x50  }
0x44: {  	[sflag:s24] =	ssyncset.done $0x0  }
0x45: {  	[sflag:s24] =	ssyncadd.s32 $0xFFFFFFB0  }
0x46: {  	[spmem:s2] =	stream.indirect.scatter.add.f32 [tilespmem:s21], [sflag:$0x5], $0x80, s18, s20, $0xb8;
	[tilespmem:$0x1B880] =	vst v63  }
0x47: {  	_ =	swait.ge [sflag:s17], $0x2800  }
0x48: {  	s6 =	sshrl.u32 s1, $0x3;
	[sflag:s17] =	ssyncset.done $0x0  }
0x49: {  	s6 =	sadd.s32 s5, s6;
	[sflag:s17] =	ssyncadd.s32 $0xFFFFD800  }
0x4a: {  	[tilespmem:s18], [sflag:$0x3] =	stream.linear.gather [hbm4b:s6+s3], $0x50, $0x38;
	[tilespmem:$0x1B880] =	vst v63  }
0x4b: {  	s6 =	sadd.s32 $0xFFFFFFB0, s0  }
0x4c: {  	[tilespmem:s21], [sflag:$0x1] =	stream.indirect.gather [hbm4b:s4+s20], $0x80, s6, s20, $0xb8;
	[tilespmem:$0x1B880] =	vst v63  }
0x4d: {  	_ =	swait.ge [sflag:s25], $0x2800  }
0x4e: {  	[sflag:s25] =	ssyncset.done $0x0  }
0x4f: {  	[sflag:s25] =	ssyncadd.s32 $0xFFFFD800  }
0x50: {  	_ =	swait.ge [sflag:s26], $0x50  }
0x51: {  	[sflag:s26] =	ssyncset.done $0x0  }
0x52: {  	[sflag:s26] =	ssyncadd.s32 $0xFFFFFFB0  }
0x53: {  	[spmem:s2] =	stream.indirect.scatter.add.f32 [tilespmem:s22], [sflag:$0x5], $0x80, s19, s20, $0xb8;
	[tilespmem:$0x1B880] =	vst v63  }
.Ltmp0:
0x54: {  	_ =	swait.ge [sflag:s17], $0x2800;
	(pc) =	sbr.rel @p0 .LBB2_2-.Ltmp0, $4  }
0x55: {  	[sflag:s17] =	ssyncset.done $0x0  }
0x56: {  	s6 =	sadd.s32 s28, s14;
	[sflag:s17] =	ssyncadd.s32 $0xFFFFD800  }
0x57: {  	[tilespmem:s19], [sflag:$0x4] =	stream.linear.gather [hbm4b:s6+s3], $0x50, $0x38;
	[tilespmem:$0x1B880] =	vst v63  }
0x58: {  	s1 =	sadd.s32 $0xA0, s1;
	s0 =	sadd.s32 $0xA0, s0  }
0x59: {  	[tilespmem:s22], [sflag:$0x2] =	stream.indirect.gather [hbm4b:s4+s20], $0x80, s30, s20, $0xb8;
	[tilespmem:$0x1B880] =	vst v63  }
0x5a: {  	_ =	swait.ge [sflag:s23], $0x2800  }
0x5b: {  	[sflag:s23] =	ssyncset.done $0x0  }
0x5c: {  	[sflag:s23] =	ssyncadd.s32 $0xFFFFD800  }
0x5d: {  	_ =	swait.ge [sflag:s24], $0x50  }
0x5e: {  	[sflag:s24] =	ssyncset.done $0x0  }
0x5f: {  	[sflag:s24] =	ssyncadd.s32 $0xFFFFFFB0  }
0x60: {  	[spmem:s2] =	stream.indirect.scatter.add.f32 [tilespmem:s21], [sflag:$0x5], $0x80, s18, s20, $0xb8;
	[tilespmem:$0x1B880] =	vst v63  }
0x61: {  	_ =	swait.ge [sflag:s17], $0x2800  }
0x62: {  	[sflag:s17] =	ssyncset.done $0x0  }
0x63: {  	[sflag:s17] =	ssyncadd.s32 $0xFFFFD800  }
0x64: {  	[tilespmem:s18], [sflag:$0x3] =	stream.linear.gather [hbm4b:s13+s3], $0x50, $0x38;
	[tilespmem:$0x1B880] =	vst v63  }
0x65: {  	s0 =	simm.s32 $0x26C0  }
0x66: {  	[tilespmem:s21], [sflag:$0x1] =	stream.indirect.gather [hbm4b:s4+s20], $0x80, s0, s20, $0xb8;
	[tilespmem:$0x1B880] =	vst v63  }
0x67: {  	_ =	swait.ge [sflag:s25], $0x2800  }
0x68: {  	[sflag:s25] =	ssyncset.done $0x0  }
0x69: {  	[sflag:s25] =	ssyncadd.s32 $0xFFFFD800  }
0x6a: {  	_ =	swait.ge [sflag:s26], $0x50  }
0x6b: {  	[sflag:s26] =	ssyncset.done $0x0  }
0x6c: {  	[sflag:s26] =	ssyncadd.s32 $0xFFFFFFB0  }
0x6d: {  	[spmem:s2] =	stream.indirect.scatter.add.f32 [tilespmem:s22], [sflag:$0x5], $0x80, s19, s20, $0xb8;
	[tilespmem:$0x1B880] =	vst v63  }
0x6e: {  	_ =	swait.ge [sflag:s17], $0x2800  }
0x6f: {  	[sflag:s17] =	ssyncset.done $0x0  }
0x70: {  	[sflag:s17] =	ssyncadd.s32 $0xFFFFD800  }
0x71: {  	_ =	swait.ge [sflag:s23], $0x2800  }
0x72: {  	[sflag:s23] =	ssyncset.done $0x0  }
0x73: {  	[sflag:s23] =	ssyncadd.s32 $0xFFFFD800  }
0x74: {  	_ =	swait.ge [sflag:s24], $0x50  }
0x75: {  	[sflag:s24] =	ssyncset.done $0x0  }
0x76: {  	[sflag:s24] =	ssyncadd.s32 $0xFFFFFFB0  }
0x77: {  	[spmem:s2] =	stream.indirect.scatter.add.f32 [tilespmem:s21], [sflag:$0x5], $0x80, s18, s20, $0xb8;
	[tilespmem:$0x1B880] =	vst v63  }
0x78: {  	_ =	swait.ge [sflag:s17], $0x2800  }
0x79: {  	s29 =	sadd.s32 $0x1, s29;
	[sflag:s17] =	ssyncset.done $0x0  }
0x7a: {  	p0 =	sne.s32 s29, s12;
	[sflag:s17] =	ssyncadd.s32 $0xFFFFD800  }
.Ltmp1:
0x7b: {  	[bflag:$0x0] =	sbarrier.arrive $0xFFFF;
	(pc) =	sbr.rel @p0 .LBB2_1-.Ltmp1, $4  }
0x7c: {  	[hbm:s11], [sflag:s7] =	dma.local [spmem:s16], $0x2800  }
0x7d: {  	_ =	swait.ge [sflag:s17], $0x2800  }
0x7e: {  	[sflag:s17] =	ssyncset.done $0x0  }
0x7f: {  	[sflag:s17] =	ssyncadd.s32 $0xFFFFD800  }
0x80: {  	_ =	sfence.sel $0x180000  }
0x81: {  	[bflag:$0x0] =	sbarrier.arrive $0xFFFF  }
0x82: {  	_ =	strace $0x9000004D  }
0x83: {  	s0 =	stileid.u32;
	[bflag:$0x2] =	sbarrier.arrive $0xFFFF  }
0x84: {  	p0 =	sne.s32 s0, $0x0;
	s0 =	rddreg [dreg:$0x3]  }
0x85: {  	s0 =	sadd.s32 @!p0 $0x100000, s0  }
0x86: {  	[sflag:s0] =	ssyncadd.tile.s32 @!p0 $0x1;
	_ =	shalt  }
.Lfunc_end2:
_tile_overlayer_lowered:
.L_overlay_start_2:
0x87: {  	(tag) =	ssettag $0x2  }
0x88: {  	s0 =	rddreg [dreg:$0x0];
	s2 =	stileid.u32  }
0x89: {  	s1 =	rddreg [dreg:$0x1];
	p0 =	sne.s32 s2, $0x0  }
0x8a: {  	s3 =	rddreg [dreg:$0x2];
	[bflag:$0x3] =	sbarrier.arrive $0xFFFF;
	s2 =	simm.s32 @!p0 $0x1C05  }
0x8b: {  	[timem:s3], [sflag:s2] =	dma.local @!p0 [hbm:s0], s1  }
0x8c: {  	s0 =	simm.s32 @!p0 $0x5  }
0x8d: {  	_ =	swait.ge @!p0 [sflag:s0], s1  }
0x8e: {  	s1 =	ssub.s32 @!p0 $0x0, s1;
	[sflag:s0] =	ssyncset.done @!p0 $0x0  }
0x8f: {  	[sflag:s0] =	ssyncadd.s32 @!p0 s1  }
0x90: {  	[bflag:$0x3] =	sbarrier.arrive $0xFFFF  }
0x91: {  	_ =	shalt  }

// kernel: kernel.8.cloned.1.call-start
scs
__scs_entry_jumppad:
0x0: {  	(pc) =	sbr.rel $0x88, $3  }
0x1: {  	(tag) =	ssettag $0x0;
	lr =	simm.s32 $0x1  }
0x2: {  	[smem:$0x3F9B] =	sst lr;
	_ =	strace $0xD0000000  }
0x3: {  	_ = 	snop  }
0x4: {  	_ = 	snop  }
0x5: {  	_ = 	snop  }
0x6: {  	_ = 	snop  }
0x7: {  	_ = 	snop  }
__scs_overlays_trampoline_lowered:
0x8: {  	[smem:$0x3FAA] =	sst s0  }
0x9: {  	[smem:$0x3FAB] =	sst s1  }
0xa: {  	[smem:$0x3FAC] =	sst s2  }
0xb: {  	[smem:$0x3FAD] =	sst s3  }
0xc: {  	[smem:$0x3FAE] =	sst s4  }
0xd: {  	[smem:$0x3FAF] =	sst s5  }
0xe: {  	[smem:$0x3FB0] =	sst s6  }
0xf: {  	[smem:$0x3FB1] =	sst s7  }
0x10: {  	[smem:$0x3FB2] =	sst s8  }
0x11: {  	[smem:$0x3FB3] =	sst s9;
	s0 =	simm.s32 @!p0 $0x0  }
0x12: {  	s1 =	sld [smem:$0x3F99];
	s0 =	simm.s32 @p0 $0x1  }
0x13: {  	[smem:$0x3FB4] =	sst s0;
	s0 =	simm.s32 @!p1 $0x0  }
0x14: {  	s2 =	sld [smem:$0x3F98];
	s0 =	simm.s32 @p1 $0x1  }
0x15: {  	[smem:$0x3FB5] =	sst s0;
	s0 =	simm.s32 @!p2 $0x0  }
0x16: {  	s3 =	sld [smem:$0x3FDB];
	s0 =	simm.s32 @p2 $0x1  }
0x17: {  	s4 =	simm.s32 $0x1BF5;
	[smem:$0x3FB7] =	sst s0  }
0x18: {  	s0 =	sld [smem:$0x3F9A];
	_ =	swait.ge [sflag:s4], $0x0  }
0x19: {  	s7 =	sld [smem:$0x3F9B]  }
0x1a: {  	s8 =	sadd.s32 $0xFFFFE003, lr  }
0x1b: {  	s9 =	sadd.s32 $0xFFFFFEF7, lr;
	s5 =	simm.s32 $0xFFFFFFFF;
	p2 =	slt.u32 s8, $0xFFFFF086  }
0x1c: {  	p1 =	slt.u32 s9, $0xF7A;
	s5 =	simm.s32 @!p2 $0x0  }
0x1d: {  	s5 =	simm.s32 @p1 $0x1;
	p0 =	seq.s32 s7, s2  }
0x1e: {  	s7 =	smul.u32 @!p0 $0xF7A, s2;
	p2 =	seq.s32 @!p0 s5, $0x0  }
0x1f: {  	s9 =	smul.u32 $0xF7A, s1;
	s8 =	simm.s32 @!p0 $0x1BF5;
	p2 =	por !p2, p0  }
0x20: {  	[sflag:s8] =	ssyncset.s32 @!p0 $0xFFFFF086;
	s6 =	sadd.s32 @!p0 s3, s7;
	s7 =	simm.s32 @!p0 $0x108  }
0x21: {  	s3 =	sadd.s32 s3, s9;
	s6 =	sadd.s32 @!p0 $0x88, s6;
	s7 =	simm.s32 @p2 $0x1082  }
0x22: {  	[simem:s7], [sflag:s8] =	dma.local @!p0 [hbm:s6], $0xF7A  }
0x23: {  	s9 =	sor.u32 $0xD0000000, s2;
	s6 =	simm.s32 $0x108;
	_ =	swait.ge @!p0 [sflag:s8], $0x0  }
0x24: {  	s3 =	sadd.s32 $0x88, s3;
	s6 =	simm.s32 @!p1 $0x1082;
	[sflag:s4] =	ssyncset.s32 $0xFFFFF086  }
0x25: {  	[simem:s6], [sflag:s4] =	dma.local [hbm:s3], $0xF7A  }
0x26: {  	[smem:$0x3F9B] =	sst s1;
	(tag) =	ssettag s2;
	_ =	strace s9  }
0x27: {  	s1 =	sld [smem:$0x3FAB]  }
0x28: {  	s2 =	sld [smem:$0x3FAC]  }
0x29: {  	s4 =	sld [smem:$0x3FAE]  }
0x2a: {  	p0 =	seq.s32 s5, $0x0;
	s5 =	sld [smem:$0x3FAF]  }
0x2b: {  	s6 =	sld [smem:$0x3FB0]  }
0x2c: {  	s7 =	sld [smem:$0x3FB1]  }
0x2d: {  	s3 =	simm.s32 $0x108;
	s8 =	sld [smem:$0x3FB2]  }
0x2e: {  	s3 =	simm.s32 @!p0 $0x1082;
	s9 =	sld [smem:$0x3FB3]  }
0x2f: {  	lr =	sadd.s32 s0, s3;
	s0 =	sld [smem:$0x3FAA]  }
0x30: {  	s3 =	sld [smem:$0x3FAD]  }
0x31: {  	[smem:$0x3FB6] =	sst s10  }
0x32: {  	s10 =	sld [smem:$0x3FB4];
	_ =	sdelay $0x3  }
0x33: {  	p0 =	seq.s32 s10, $0x1;
	s10 =	sld [smem:$0x3FB6];
	_ =	sdelay $0x3  }
0x34: {  	[smem:$0x3FB6] =	sst s10  }
0x35: {  	s10 =	sld [smem:$0x3FB5];
	_ =	sdelay $0x3  }
0x36: {  	p1 =	seq.s32 s10, $0x1;
	s10 =	sld [smem:$0x3FB6];
	_ =	sdelay $0x3  }
0x37: {  	[smem:$0x3FB6] =	sst s10  }
0x38: {  	s10 =	sld [smem:$0x3FB7]  }
0x39: {  	_ = 	snop;
	(pc) =	sbr.ind lr, $3  }
0x3a: {  	_ = 	snop  }
0x3b: {  	_ = 	snop  }
0x3c: {  	p2 =	seq.s32 s10, $0x1;
	s10 =	sld [smem:$0x3FB6]  }
0x3d: {  	_ =	shalt  }
0x3e: {  	_ =	shalt  }
0x3f: {  	_ =	shalt  }
0x40: {  	_ =	shalt  }
0x41: {  	_ =	shalt  }
0x42: {  	_ =	shalt  }
0x43: {  	_ =	shalt  }
0x44: {  	_ =	shalt  }
0x45: {  	_ =	shalt  }
0x46: {  	_ =	shalt  }
0x47: {  	_ =	shalt  }
0x48: {  	_ =	shalt  }
0x49: {  	_ =	shalt  }
0x4a: {  	_ =	shalt  }
0x4b: {  	_ =	shalt  }
0x4c: {  	_ =	shalt  }
0x4d: {  	_ =	shalt  }
0x4e: {  	_ =	shalt  }
0x4f: {  	_ =	shalt  }
0x50: {  	_ =	shalt  }
0x51: {  	_ =	shalt  }
0x52: {  	_ =	shalt  }
0x53: {  	_ =	shalt  }
0x54: {  	_ =	shalt  }
0x55: {  	_ =	shalt  }
0x56: {  	_ =	shalt  }
0x57: {  	_ =	shalt  }
0x58: {  	_ =	shalt  }
0x59: {  	_ =	shalt  }
0x5a: {  	_ =	shalt  }
0x5b: {  	_ =	shalt  }
0x5c: {  	_ =	shalt  }
0x5d: {  	_ =	shalt  }
0x5e: {  	_ =	shalt  }
0x5f: {  	_ =	shalt  }
0x60: {  	_ =	shalt  }
0x61: {  	_ =	shalt  }
0x62: {  	_ =	shalt  }
0x63: {  	_ =	shalt  }
0x64: {  	_ =	shalt  }
0x65: {  	_ =	shalt  }
0x66: {  	_ =	shalt  }
0x67: {  	_ =	shalt  }
0x68: {  	_ =	shalt  }
0x69: {  	_ =	shalt  }
0x6a: {  	_ =	shalt  }
0x6b: {  	_ =	shalt  }
0x6c: {  	_ =	shalt  }
0x6d: {  	_ =	shalt  }
0x6e: {  	_ =	shalt  }
0x6f: {  	_ =	shalt  }
0x70: {  	_ =	shalt  }
0x71: {  	_ =	shalt  }
0x72: {  	_ =	shalt  }
0x73: {  	_ =	shalt  }
0x74: {  	_ =	shalt  }
0x75: {  	_ =	shalt  }
0x76: {  	_ =	shalt  }
0x77: {  	_ =	shalt  }
0x78: {  	_ =	shalt  }
0x79: {  	_ =	shalt  }
0x7a: {  	_ =	shalt  }
0x7b: {  	_ =	shalt  }
0x7c: {  	_ =	shalt  }
0x7d: {  	_ =	shalt  }
0x7e: {  	_ =	shalt  }
0x7f: {  	_ =	shalt  }
0x80: {  	_ =	shalt  }
0x81: {  	_ =	shalt  }
0x82: {  	_ =	shalt  }
0x83: {  	_ =	shalt  }
0x84: {  	_ =	shalt  }
0x85: {  	_ =	shalt  }
0x86: {  	_ =	shalt  }
0x87: {  	_ =	shalt  }
.Lfunc_end0:
.L_simem_size_0:
called_computation_lowered:
.L_overlay_start_0:
0x88: {  	s2 =	sld [smem:$0x3FD9]  }
0x89: {  	s3 =	sld [smem:$0x3FFE];
	_ =	sdelay $0x1  }
0x8a: {  	s1 =	srdreg.scid  }
0x8b: {  	s0 =	sand.u32 $0x1, s1  }
0x8c: {  	s16 =	sshll.u32 s0, $0xA;
	s2 =	sadd.s32 s3, s2  }
0x8d: {  	s2 =	sadd.s32 s2, s16  }
0x8e: {  	[smem:$0x3FC2] =	sst s2  }
0x8f: {  	_ = 	snop  }
0x90: {  	(tm) =	ssettm $0x1  }
0x91: {  	s17 =	sld [smem:$0x3FFB];
	_ =	sdelay $0x3  }
0x92: {  	_ =	strace s17  }
0x93: {  	s2 =	sld [smem:$0x3FFC];
	_ =	sdelay $0x3  }
0x94: {  	_ =	strace s2  }
0x95: {  	s2 =	sld [smem:$0x3FFD];
	_ =	sdelay $0x3  }
0x96: {  	_ =	strace s2  }
0x97: {  	_ =	strace $0x8FFFFFFF  }
0x98: {  	s18 =	sld [smem:$0x3FDB];
	_ =	sdelay $0x1  }
0x99: {  	s19 =	simm.s32 $_scs_section_size  }
0x9a: {  	s4 =	simm.s32 $_size__tile_overlayer_lowered;
	s5 =	simm.s32 $_tile_overlayer_lowered  }
0x9b: {  	s22 =	simm.s32 $0x1BFF;
	s21 =	sshll.u32 s5, $0x1;
	s2 =	sadd.s32 s19, s18  }
0x9c: {  	s6 =	simm.s32 $0x0;
	s20 =	sshll.u32 s4, $0x1;
	s4 =	sadd.s32 s21, s2  }
0x9d: {  	[timem:s6], [sflag:s22] =	dma.local [hbm:s4], s20  }
0x9e: {  	_ =	swait.ge [sflag:s22], s20  }
0x9f: {  	s3 =	ssub.s32 $0x0, s20;
	[sflag:s22] =	ssyncset.done $0x0  }
0xa0: {  	[sflag:s22] =	ssyncadd.s32 s3;
	_ =	sdelay $0x1  }
0xa1: {  	s23 =	simm.s32 $0x1B8B  }
0xa2: {  	_ =	swait.ge [sflag:s23], $0x1  }
0xa3: {  	[sflag:s23] =	ssyncset.done $0x0  }
0xa4: {  	s25 =	simm.s32 $0x1B8E;
	s24 =	sld [smem:$0x3FFE];
	[sflag:s23] =	ssyncadd.s32 $0xFFFFFFFF  }
0xa5: {  	s26 =	simm.s32 $execute0_lowered;
	[smem:$0x3FD2] =	sst s25  }
0xa6: {  	s4 =	sshll.u32 s26, $0x1;
	_ =	strace $0x80000046;
	[dreg:$0x1] =	wrdreg $0xFFFFFFFF  }
0xa7: {  	s28 =	simm.s32 $_size_execute0_lowered;
	s2 =	sadd.s32 s2, s4;
	[dreg:$0x0] =	wrdreg $0x0  }
0xa8: {  	s4 =	sshll.u32 s28, $0x1;
	[dreg:$0x2] =	wrdreg s2  }
0xa9: {  	[dreg:$0x3] =	wrdreg s4  }
0xaa: {  	[dreg:$0x4] =	wrdreg $0xC0  }
0xab: {  	_ =	task [dreg:s6], $0x5FFFF  }
0xac: {  	[dreg:$0x1] =	wrdreg $0xFFFFFFFF  }
0xad: {  	[dreg:$0x0] =	wrdreg $0x60  }
0xae: {  	[dreg:$0x2] =	wrdreg s24  }
0xaf: {  	[dreg:$0x3] =	wrdreg $0x68000  }
0xb0: {  	[dreg:$0x4] =	wrdreg $0x9  }
0xb1: {  	_ =	task.clear_ibuf [dreg:s6], $0x5FFFF;
	_ =	strace $0x90000046  }
0xb2: {  	s29 =	simm.s32 $0x9;
	_ =	strace $0x80000048  }
0xb3: {  	_ =	swait.ge [sflag:s29], $0x1  }
0xb4: {  	[sflag:s29] =	ssyncadd.s32 $0xFFFFFFFF  }
0xb5: {  	_ =	strace $0x90000048  }
0xb6: {  	_ =	sfence  }
0xb7: {  	s30 =	sld [smem:$0x0];
	_ =	sdelay $0x2  }
0xb8: {  	s31 =	sshll.u32 s1, $0xD;
	s1 =	sshrl.u32 s1, $0x2  }
0xb9: {  	s3 =	sand.u32 $0x4000, s31;
	s1 =	sadd.s32 s1, s30  }
0xba: {  	s0 =	sor.u32 s3, s0;
	s1 =	sshll.u32 s1, $0x11  }
0xbb: {  	s0 =	sor.u32 s1, s0  }
0xbc: {  	s0 =	sadd.s32 $0x8F2B, s0  }
0xbd: {  	[sflag:s0] =	ssyncadd.remote.s32 $0x1  }
0xbe: {  	_ =	sfence.sel $0xFFFF  }
0xbf: {  	[dreg:$0x0] =	wrdreg $0xFFFFFFFF;
	(pc) =	sbr.abs _section_cstart, $3  }
0xc0: {  	[dreg:$0x1] =	wrdreg $0xFFFFFFFF  }
0xc1: {  	_ =	task.clear_ibuf [dreg:s6], $0x2FFFF;
	_ =	strace $0x9FFFFFFF  }
0xc2: {  	(tm) =	ssettm $0x7FFFFFFF  }
0xc3: {  	_ =	shalt  }
tec
execute0_lowered:
.L_overlay_start_1:
0x0: {  	(tag) =	ssettag $0x1  }
0x1: {  	s5 =	rddreg [dreg:$0x0]  }
0x2: {  	s2 =	rddreg [dreg:$0x1]  }
0x3: {  	s0 =	rddreg [dreg:$0x2]  }
0x4: {  	s3 =	simm.s32 $0x0;
	s1 =	stileid.u32;
	s4 =	srdreg.scid  }
0x5: {  	s13 =	simm.s32 $0x50;
	s14 =	simm.s32 $0x0;
	[smem:$0x7FF] =	sst s3  }
0x6: {  	s6 =	smul.u32 $0x2800, s1;
	s7 =	sand.u32 $0x1, s4;
	s25 =	sshll.u32 s1, $0xB  }
0x7: {  	s4 =	sadd.s32 $0x45200, s5;
	s11 =	smul.u32 $0x50000, s1;
	s31 =	sshll.u32 s1, $0x6  }
0x8: {  	_ =	strace $0x80000047;
	s8 =	smul.u32 $0x28000, s7;
	s9 =	sadd.s32 s25, s5  }
0x9: {  	s26 =	ssub.s32 $0x2, s7;
	s29 =	sshll.u32 s7, $0xF;
	s10 =	sadd.s32 s6, s5  }
0xa: {  	s28 =	sshrl.u32 s26, $0x1;
	s30 =	sshrl.u32 s11, $0x2;
	s6 =	sadd.s32 s6, s8  }
0xb: {  	s8 =	ssub.s32 s26, s28;
	s11 =	sadd.s32 s30, s2;
	s12 =	sadd.s32 s6, s5  }
0xc: {  	s6 =	sadd.s32 s29, s9;
	s5 =	sadd.s32 $0x1D200, s10;
	s8 =	smax.u32 s8, $0x1  }
0xd: {  	s9 =	simm.s32 $0x1;
	s10 =	sor.u32 $0x1C01, s31;
	s11 =	sshrl.u32 s11, $0x3  }
0xe: {  	s6 =	sadd.s32 $0xD200, s6;
	s7 =	sadd.s32 $0x45800, s12;
	s12 =	simm.s32 $0x2800  }
.LBB2_1:
0xf: {  	[tilespmem:s3], [sflag:$0x1] =	stream.linear.gather [hbm4b:s4+s3], $0x2800, $0x38;
	[tilespmem:$0x1A800] =	vst v63  }
0x10: {  	_ =	swait.ge [sflag:s9], $0x2800  }
0x11: {  	[sflag:s9] =	ssyncset.done $0x0  }
0x12: {  	[sflag:s9] =	ssyncadd.s32 $0xFFFFD800  }
0x13: {  	[spmem:s11], [sflag:s10] =	dma.local [hbm:s5], $0x2800  }
0x14: {  	_ =	swait.ge [sflag:s9], $0x2800  }
0x15: {  	[sflag:s9] =	ssyncset.done $0x0  }
0x16: {  	[sflag:s9] =	ssyncadd.s32 $0xFFFFD800  }
0x17: {  	[tilespmem:s12], [sflag:$0x1] =	stream.linear.gather [hbm4b:s6+s3], $0x3E80, $0x38;
	[tilespmem:$0x1A800] =	vst v63  }
0x18: {  	_ =	swait.ge [sflag:s9], $0x3E80  }
0x19: {  	[sflag:s9] =	ssyncset.done $0x0  }
0x1a: {  	[sflag:s9] =	ssyncadd.s32 $0xFFFFC180  }
0x1b: {  	s15 =	simm.s32 $0x2800;
	[bflag:$0x0] =	sbarrier.arrive $0xFFFF  }
0x1c: {  	[spmem:s2] =	stream.indirect.scatter.add.f32 [tilespmem:s3], [sflag:$0x1], $0x80, s15, s13, $0xb8;
	[tilespmem:$0x1A800] =	vst v63  }
0x1d: {  	s15 =	simm.s32 $0x200;
	_ =	swait.ge [sflag:s9], $0x2800  }
.LBB2_2:
0x1e: {  	s16 =	sshra.s32 s15, $0x2;
	[sflag:s9] =	ssyncset.done $0x0;
	p0 =	sne.s32 s15, $0xF800  }
.Ltmp0:
0x1f: {  	s16 =	sadd.s32 $0x2800, s16;
	[sflag:s9] =	ssyncadd.s32 $0xFFFFD800;
	(pc) =	sbr.rel @p0 .LBB2_2-.Ltmp0, $3  }
0x20: {  	[spmem:s2] =	stream.indirect.scatter.add.f32 [tilespmem:s3], [sflag:$0x1], $0x80, s16, s13, $0xb8;
	[tilespmem:$0x1A800] =	vst v63  }
0x21: {  	s15 =	sadd.s32 $0x200, s15;
	_ =	sdelay $0x1  }
0x22: {  	_ =	swait.ge [sflag:s9], $0x2800  }
0x23: {  	[sflag:s9] =	ssyncset.done $0x0;
	s14 =	sadd.s32 $0x1, s14  }
0x24: {  	[sflag:s9] =	ssyncadd.s32 $0xFFFFD800;
	p0 =	sne.s32 s14, s8  }
.Ltmp1:
0x25: {  	[bflag:$0x0] =	sbarrier.arrive $0xFFFF;
	(pc) =	sbr.rel @p0 .LBB2_1-.Ltmp1, $4  }
0x26: {  	[hbm:s7], [sflag:s10] =	dma.local [spmem:s11], $0x2800  }
0x27: {  	_ =	swait.ge [sflag:s9], $0x2800  }
0x28: {  	[sflag:s9] =	ssyncset.done $0x0  }
0x29: {  	[sflag:s9] =	ssyncadd.s32 $0xFFFFD800  }
0x2a: {  	_ =	sfence.sel $0x180000  }
0x2b: {  	[bflag:$0x0] =	sbarrier.arrive $0xFFFF  }
0x2c: {  	p0 =	sne.s32 s1, $0x0;
	_ =	strace $0x90000047  }
0x2d: {  	s0 =	sadd.s32 @!p0 $0x100000, s0;
	[bflag:$0x2] =	sbarrier.arrive $0xFFFF  }
0x2e: {  	[sflag:s0] =	ssyncadd.tile.s32 @!p0 $0x1;
	_ =	shalt  }
.Lfunc_end2:
_tile_overlayer_lowered:
.L_overlay_start_2:
0x2f: {  	(tag) =	ssettag $0x2  }
0x30: {  	s0 =	rddreg [dreg:$0x0];
	s2 =	stileid.u32  }
0x31: {  	s1 =	rddreg [dreg:$0x1];
	p0 =	sne.s32 s2, $0x0  }
0x32: {  	s3 =	rddreg [dreg:$0x2];
	[bflag:$0x3] =	sbarrier.arrive $0xFFFF;
	s2 =	simm.s32 @!p0 $0x1C01  }
0x33: {  	[timem:s3], [sflag:s2] =	dma.local @!p0 [hbm:s0], s1  }
0x34: {  	s0 =	simm.s32 @!p0 $0x1  }
0x35: {  	_ =	swait.ge @!p0 [sflag:s0], s1  }
0x36: {  	s1 =	ssub.s32 @!p0 $0x0, s1;
	[sflag:s0] =	ssyncset.done @!p0 $0x0  }
0x37: {  	[sflag:s0] =	ssyncadd.s32 @!p0 s1  }
0x38: {  	[bflag:$0x3] =	sbarrier.arrive $0xFFFF  }
0x39: {  	_ =	shalt  }

</sc_bundles>
